<compile_context>
chip_gen: v7x
topology: tpu7x:2x2x1
jax: 0.10.2.dev20260603
libtpu: 0.0.44.dev20260713+nightly
codegen_flags: <defaults>
</compile_context>

<pallas_src>
import functools

import jax
import jax.numpy as jnp
from jax import lax
from jax.experimental import pallas as pl
from jax.experimental.pallas import tpu as pltpu
from jax.experimental.pallas import tpu_sc as plsc

N_ROWS = 100000
N_FEAT = 128
N_SEG = 1024

NC = 2
NS = 16
L = 16

ROWS_PER_TILE = 3128
CHUNK = 128
NCHUNKS = 25
ACC_ROWS = N_SEG + 16
ROWS_PER_SUB = N_SEG // NS
DUMMY = N_SEG
CNT_W = 128


def _sc_body(feat_hbm, ids_hbm, sums_out, cnts_out,
             fbuf0, fbuf1, idbuf0, idbuf1, obuf, zbuf, zcnt, acc, cnt,
             sem0, sem1):
  c = lax.axis_index("c")
  s = lax.axis_index("s")
  g = c * NS + s
  fbufs, idbufs, sems = (fbuf0, fbuf1), (idbuf0, idbuf1), (sem0, sem1)

  def _init_ones(r, _):
    for k in range(CNT_W // L):
      obuf[r, pl.ds(k * L, L)] = jnp.ones((L,), jnp.float32)
    return 0
  lax.fori_loop(0, CHUNK, _init_ones, 0)

  def _init_zero(r, _):
    for k in range(N_FEAT // L):
      zbuf[r, pl.ds(k * L, L)] = jnp.zeros((L,), jnp.float32)
    for k in range(CNT_W // L):
      zcnt[r, pl.ds(k * L, L)] = jnp.zeros((L,), jnp.float32)
    return 0
  lax.fori_loop(0, ROWS_PER_SUB, _init_zero, 0)

  arow = s * ROWS_PER_SUB
  pltpu.sync_copy(zbuf, acc.at[pl.ds(arow, ROWS_PER_SUB)])
  pltpu.sync_copy(zcnt, cnt.at[pl.ds(arow, ROWS_PER_SUB)])
  plsc.subcore_barrier()

  base = g * ROWS_PER_TILE
  end = jnp.minimum(base + ROWS_PER_TILE, N_ROWS)

  def _issue(j, b):
    cb = jnp.minimum(base + j * CHUNK, N_ROWS - CHUNK)
    pltpu.async_copy(ids_hbm.at[pl.ds(cb, CHUNK)], idbufs[b], sems[b])
    pltpu.async_copy(feat_hbm.at[pl.ds(cb, CHUNK)], fbufs[b], sems[b])

  def _process(j, b):
    start = base + j * CHUNK
    cb = jnp.minimum(start, N_ROWS - CHUNK)
    pltpu.make_async_copy(ids_hbm.at[pl.ds(0, CHUNK)], idbufs[b], sems[b]).wait()
    pltpu.make_async_copy(feat_hbm.at[pl.ds(0, CHUNK)], fbufs[b], sems[b]).wait()
    for k in range(CHUNK // L):
      gi = cb + k * L + jnp.arange(L, dtype=jnp.int32)
      v = idbufs[b][pl.ds(k * L, L)]
      valid = (gi >= start) & (gi < end)
      idbufs[b][pl.ds(k * L, L)] = jnp.where(valid, v, DUMMY)
    pltpu.sync_copy(fbufs[b], acc.at[idbufs[b]], add=True)
    pltpu.sync_copy(obuf, cnt.at[idbufs[b]], add=True)

  _issue(0, 0)

  def _pair(jj, _):
    for b in range(2):
      j = jj * 2 + b
      _issue(j + 1, (b + 1) % 2)
      _process(j, b)
    return 0
  lax.fori_loop(0, NCHUNKS // 2, _pair, 0)
  _process(NCHUNKS - 1, (NCHUNKS - 1) % 2)

  plsc.subcore_barrier()

  pltpu.sync_copy(acc.at[pl.ds(arow, ROWS_PER_SUB)],
                  sums_out.at[c, pl.ds(arow, ROWS_PER_SUB)])
  pltpu.sync_copy(cnt.at[pl.ds(arow, ROWS_PER_SUB)],
                  cnts_out.at[c, pl.ds(arow, ROWS_PER_SUB)])


@jax.jit
def _sc_partials(feat, segment_ids):
  mesh = plsc.VectorSubcoreMesh(core_axis_name="c", subcore_axis_name="s")
  return pl.kernel(
      _sc_body,
      mesh=mesh,
      out_type=[
          jax.ShapeDtypeStruct((NC, N_SEG, N_FEAT), jnp.float32),
          jax.ShapeDtypeStruct((NC, N_SEG, CNT_W), jnp.float32),
      ],
      scratch_types=[
          pltpu.VMEM((CHUNK, N_FEAT), jnp.float32),
          pltpu.VMEM((CHUNK, N_FEAT), jnp.float32),
          pltpu.VMEM((CHUNK,), jnp.int32),
          pltpu.VMEM((CHUNK,), jnp.int32),
          pltpu.VMEM((CHUNK, CNT_W), jnp.float32),
          pltpu.VMEM((ROWS_PER_SUB, N_FEAT), jnp.float32),
          pltpu.VMEM((ROWS_PER_SUB, CNT_W), jnp.float32),
          pltpu.VMEM_SHARED((ACC_ROWS, N_FEAT), jnp.float32),
          pltpu.VMEM_SHARED((ACC_ROWS, CNT_W), jnp.float32),
          pltpu.SemaphoreType.DMA,
          pltpu.SemaphoreType.DMA,
      ],
  )(feat, segment_ids)


def _finalize_body(s_ref, c_ref, o_ref):
  sums = s_ref[0] + s_ref[1]
  cnts = c_ref[0, :, 0] + c_ref[1, :, 0]
  o_ref[...] = sums / jnp.maximum(cnts, 1.0)[:, None]


@jax.jit
def kernel(feat, segment_ids):
  sums, cnts = _sc_partials(feat, segment_ids.astype(jnp.int32))
  return pl.pallas_call(
      _finalize_body,
      out_shape=jax.ShapeDtypeStruct((N_SEG, N_FEAT), jnp.float32),
  )(sums, cnts)

# --- scband reference (transcript-rebuilt; emitter-appended) ---
"""Pipeline reference for scband-avg-pooling-24945170055563 (READ-ONLY COPY).

The authoritative reference and input builder live on the scoring server;
editing this copy changes nothing except your own understanding.
"""

import jax, jax.numpy as jnp
import numpy as np

NUM_GRAPHS = 1024

def setup_inputs(seed: int = 0) -> dict:
    key = jax.random.key(seed)
    k1, k2 = jax.random.split(key)
    feat = jax.random.normal(k1, (100000, 128), dtype=jnp.float32)
    segment_ids = jnp.sort(jax.random.randint(k2, (100000,), 0, NUM_GRAPHS))
    return {"feat": feat, "segment_ids": segment_ids}

def reference(feat, segment_ids):
    # DGL AvgPooling: readout = dgl.mean_nodes(graph, feat)
    # i.e. per-graph mean of node features in a batched graph.
    sums = jax.ops.segment_sum(feat, segment_ids, num_segments=NUM_GRAPHS)
    counts = jax.ops.segment_sum(jnp.ones((feat.shape[0],), dtype=feat.dtype), segment_ids, num_segments=NUM_GRAPHS)
    counts = jnp.maximum(counts, 1.0)
    readout = sums / counts[:, None]
    return readout

if __name__ == "__main__":
    import jax
    _d = setup_inputs()
    print(jax.jit(kernel)(*tuple(_d.values())))

</pallas_src>

<mosaic_0001>
#map = affine_map<(d0, d1) -> (0, 0)>
#map1 = affine_map<(d0, d1) -> (0)>
#map2 = affine_map<(d0, d1) -> (0, 0, 0)>
module attributes {stable_mosaic.version = 14 : i64} {
  func.func @_sc_body(%arg0: i32, %arg1: i32, %arg2: memref<100000x128xf32, #tpu.memory_space<hbm>>, %arg3: memref<100000xi32, #tpu.memory_space<hbm>>, %arg4: memref<2x1024x128xf32, #tpu.memory_space<hbm>>, %arg5: memref<2x1024x128xf32, #tpu.memory_space<hbm>>, %arg6: memref<128x128xf32, #tpu.memory_space<vmem>>, %arg7: memref<128x128xf32, #tpu.memory_space<vmem>>, %arg8: memref<128xi32, #tpu.memory_space<vmem>>, %arg9: memref<128xi32, #tpu.memory_space<vmem>>, %arg10: memref<128x128xf32, #tpu.memory_space<vmem>>, %arg11: memref<64x128xf32, #tpu.memory_space<vmem>>, %arg12: memref<64x128xf32, #tpu.memory_space<vmem>>, %arg13: memref<1040x128xf32, #tpu.memory_space<vmem_shared>>, %arg14: memref<1040x128xf32, #tpu.memory_space<vmem_shared>>, %arg15: memref<!tpu.dma_semaphore, #tpu.memory_space<semaphore_mem>>, %arg16: memref<!tpu.dma_semaphore, #tpu.memory_space<semaphore_mem>>) attributes {dimension_semantics = [#tpu.dimension_semantics<core_parallel>, #tpu.dimension_semantics<subcore_parallel>], iteration_bounds = array<i64: 2, 16>, scalar_prefetch = 0 : i64, scratch_operands = 11 : i64, tpu.core_type = #tpu.core_type<sc_vector_subcore>, window_params = [{transform_indices = #map}, {transform_indices = #map1}, {transform_indices = #map2}, {transform_indices = #map2}]} {
    %mul3A = arith.constant 16 : i32
    %mul3A_0 = arith.muli %arg0, %mul3A : i32
    %add3A = arith.addi %mul3A_0, %arg1 : i32
    %scan3A = arith.constant 0 : i32
    %scan3A_1 = arith.constant 0 : i32
    %scan3A_2 = arith.constant 128 : i32
    %scan3A_3 = arith.addi %scan3A_1, %scan3A_2 : i32
    %scan3A_4 = arith.constant 1 : i32
    %scan3A_5 = scf.for %scan3A_202 = %scan3A_1 to %scan3A_3 step %scan3A_4 iter_args(%scan3A_203 = %scan3A) -> (i32)  : i32 {
      %broadcast_in_dim3A_204 = arith.constant 1.000000e+00 : f32
      %broadcast_in_dim3A_205 = vector.broadcast %broadcast_in_dim3A_204 : f32 to vector<16xf32>
      %swap3A_206 = arith.index_cast %scan3A_202 : i32 to index
      %swap3A_207 = arith.constant 0 : index
      %swap3A_208 = tpu.vector_load %arg10[%swap3A_206, %swap3A_207] {strides = array<i32>} : memref<128x128xf32, #tpu.memory_space<vmem>>, vector<1x16xf32>,
      %swap3A_209 = vector.shape_cast %swap3A_208 : vector<1x16xf32> to vector<16xf32>
      %swap3A_210 = vector.shape_cast %broadcast_in_dim3A_205 : vector<16xf32> to vector<1x16xf32>
      tpu.vector_store %arg10[%swap3A_206, %swap3A_207], %swap3A_210 {strides = array<i32>} : memref<128x128xf32, #tpu.memory_space<vmem>>, vector<1x16xf32>,
      %broadcast_in_dim3A_211 = arith.constant 1.000000e+00 : f32
      %broadcast_in_dim3A_212 = vector.broadcast %broadcast_in_dim3A_211 : f32 to vector<16xf32>
      %swap3A_213 = arith.index_cast %scan3A_202 : i32 to index
      %swap3A_214 = arith.constant 16 : index
      %swap3A_215 = tpu.vector_load %arg10[%swap3A_213, %swap3A_214] {strides = array<i32>} : memref<128x128xf32, #tpu.memory_space<vmem>>, vector<1x16xf32>,
      %swap3A_216 = vector.shape_cast %swap3A_215 : vector<1x16xf32> to vector<16xf32>
      %swap3A_217 = vector.shape_cast %broadcast_in_dim3A_212 : vector<16xf32> to vector<1x16xf32>
      tpu.vector_store %arg10[%swap3A_213, %swap3A_214], %swap3A_217 {strides = array<i32>} : memref<128x128xf32, #tpu.memory_space<vmem>>, vector<1x16xf32>,
      %broadcast_in_dim3A_218 = arith.constant 1.000000e+00 : f32
      %broadcast_in_dim3A_219 = vector.broadcast %broadcast_in_dim3A_218 : f32 to vector<16xf32>
      %swap3A_220 = arith.index_cast %scan3A_202 : i32 to index
      %swap3A_221 = arith.constant 32 : index
      %swap3A_222 = tpu.vector_load %arg10[%swap3A_220, %swap3A_221] {strides = array<i32>} : memref<128x128xf32, #tpu.memory_space<vmem>>, vector<1x16xf32>,
      %swap3A_223 = vector.shape_cast %swap3A_222 : vector<1x16xf32> to vector<16xf32>
      %swap3A_224 = vector.shape_cast %broadcast_in_dim3A_219 : vector<16xf32> to vector<1x16xf32>
      tpu.vector_store %arg10[%swap3A_220, %swap3A_221], %swap3A_224 {strides = array<i32>} : memref<128x128xf32, #tpu.memory_space<vmem>>, vector<1x16xf32>,
      %broadcast_in_dim3A_225 = arith.constant 1.000000e+00 : f32
      %broadcast_in_dim3A_226 = vector.broadcast %broadcast_in_dim3A_225 : f32 to vector<16xf32>
      %swap3A_227 = arith.index_cast %scan3A_202 : i32 to index
      %swap3A_228 = arith.constant 48 : index
      %swap3A_229 = tpu.vector_load %arg10[%swap3A_227, %swap3A_228] {strides = array<i32>} : memref<128x128xf32, #tpu.memory_space<vmem>>, vector<1x16xf32>,
      %swap3A_230 = vector.shape_cast %swap3A_229 : vector<1x16xf32> to vector<16xf32>
      %swap3A_231 = vector.shape_cast %broadcast_in_dim3A_226 : vector<16xf32> to vector<1x16xf32>
      tpu.vector_store %arg10[%swap3A_227, %swap3A_228], %swap3A_231 {strides = array<i32>} : memref<128x128xf32, #tpu.memory_space<vmem>>, vector<1x16xf32>,
      %broadcast_in_dim3A_232 = arith.constant 1.000000e+00 : f32
      %broadcast_in_dim3A_233 = vector.broadcast %broadcast_in_dim3A_232 : f32 to vector<16xf32>
      %swap3A_234 = arith.index_cast %scan3A_202 : i32 to index
      %swap3A_235 = arith.constant 64 : index
      %swap3A_236 = tpu.vector_load %arg10[%swap3A_234, %swap3A_235] {strides = array<i32>} : memref<128x128xf32, #tpu.memory_space<vmem>>, vector<1x16xf32>,
      %swap3A_237 = vector.shape_cast %swap3A_236 : vector<1x16xf32> to vector<16xf32>
      %swap3A_238 = vector.shape_cast %broadcast_in_dim3A_233 : vector<16xf32> to vector<1x16xf32>
      tpu.vector_store %arg10[%swap3A_234, %swap3A_235], %swap3A_238 {strides = array<i32>} : memref<128x128xf32, #tpu.memory_space<vmem>>, vector<1x16xf32>,
      %broadcast_in_dim3A_239 = arith.constant 1.000000e+00 : f32
      %broadcast_in_dim3A_240 = vector.broadcast %broadcast_in_dim3A_239 : f32 to vector<16xf32>
      %swap3A_241 = arith.index_cast %scan3A_202 : i32 to index
      %swap3A_242 = arith.constant 80 : index
      %swap3A_243 = tpu.vector_load %arg10[%swap3A_241, %swap3A_242] {strides = array<i32>} : memref<128x128xf32, #tpu.memory_space<vmem>>, vector<1x16xf32>,
      %swap3A_244 = vector.shape_cast %swap3A_243 : vector<1x16xf32> to vector<16xf32>
      %swap3A_245 = vector.shape_cast %broadcast_in_dim3A_240 : vector<16xf32> to vector<1x16xf32>
      tpu.vector_store %arg10[%swap3A_241, %swap3A_242], %swap3A_245 {strides = array<i32>} : memref<128x128xf32, #tpu.memory_space<vmem>>, vector<1x16xf32>,
      %broadcast_in_dim3A_246 = arith.constant 1.000000e+00 : f32
      %broadcast_in_dim3A_247 = vector.broadcast %broadcast_in_dim3A_246 : f32 to vector<16xf32>
      %swap3A_248 = arith.index_cast %scan3A_202 : i32 to index
      %swap3A_249 = arith.constant 96 : index
      %swap3A_250 = tpu.vector_load %arg10[%swap3A_248, %swap3A_249] {strides = array<i32>} : memref<128x128xf32, #tpu.memory_space<vmem>>, vector<1x16xf32>,
      %swap3A_251 = vector.shape_cast %swap3A_250 : vector<1x16xf32> to vector<16xf32>
      %swap3A_252 = vector.shape_cast %broadcast_in_dim3A_247 : vector<16xf32> to vector<1x16xf32>
      tpu.vector_store %arg10[%swap3A_248, %swap3A_249], %swap3A_252 {strides = array<i32>} : memref<128x128xf32, #tpu.memory_space<vmem>>, vector<1x16xf32>,
      %broadcast_in_dim3A_253 = arith.constant 1.000000e+00 : f32
      %broadcast_in_dim3A_254 = vector.broadcast %broadcast_in_dim3A_253 : f32 to vector<16xf32>
      %swap3A_255 = arith.index_cast %scan3A_202 : i32 to index
      %swap3A_256 = arith.constant 112 : index
      %swap3A_257 = tpu.vector_load %arg10[%swap3A_255, %swap3A_256] {strides = array<i32>} : memref<128x128xf32, #tpu.memory_space<vmem>>, vector<1x16xf32>,
      %swap3A_258 = vector.shape_cast %swap3A_257 : vector<1x16xf32> to vector<16xf32>
      %swap3A_259 = vector.shape_cast %broadcast_in_dim3A_254 : vector<16xf32> to vector<1x16xf32>
      tpu.vector_store %arg10[%swap3A_255, %swap3A_256], %swap3A_259 {strides = array<i32>} : memref<128x128xf32, #tpu.memory_space<vmem>>, vector<1x16xf32>,
      %scan3A_260 = arith.constant 0 : i32
      scf.yield %scan3A_260 : i32
    }
    %scan3A_6 = arith.constant 128 : i32
    %scan3A_7 = arith.constant 0 : i32
    %scan3A_8 = arith.constant 0 : i32
    %scan3A_9 = arith.constant 64 : i32
    %scan3A_10 = arith.addi %scan3A_8, %scan3A_9 : i32
    %scan3A_11 = arith.constant 1 : i32
    %scan3A_12 = scf.for %scan3A_202 = %scan3A_8 to %scan3A_10 step %scan3A_11 iter_args(%scan3A_203 = %scan3A_7) -> (i32)  : i32 {
      %broadcast_in_dim3A_204 = arith.constant 0.000000e+00 : f32
      %broadcast_in_dim3A_205 = vector.broadcast %broadcast_in_dim3A_204 : f32 to vector<16xf32>
      %swap3A_206 = arith.index_cast %scan3A_202 : i32 to index
      %swap3A_207 = arith.constant 0 : index
      %swap3A_208 = tpu.vector_load %arg11[%swap3A_206, %swap3A_207] {strides = array<i32>} : memref<64x128xf32, #tpu.memory_space<vmem>>, vector<1x16xf32>,
      %swap3A_209 = vector.shape_cast %swap3A_208 : vector<1x16xf32> to vector<16xf32>
      %swap3A_210 = vector.shape_cast %broadcast_in_dim3A_205 : vector<16xf32> to vector<1x16xf32>
      tpu.vector_store %arg11[%swap3A_206, %swap3A_207], %swap3A_210 {strides = array<i32>} : memref<64x128xf32, #tpu.memory_space<vmem>>, vector<1x16xf32>,
      %broadcast_in_dim3A_211 = arith.constant 0.000000e+00 : f32
      %broadcast_in_dim3A_212 = vector.broadcast %broadcast_in_dim3A_211 : f32 to vector<16xf32>
      %swap3A_213 = arith.index_cast %scan3A_202 : i32 to index
      %swap3A_214 = arith.constant 16 : index
      %swap3A_215 = tpu.vector_load %arg11[%swap3A_213, %swap3A_214] {strides = array<i32>} : memref<64x128xf32, #tpu.memory_space<vmem>>, vector<1x16xf32>,
      %swap3A_216 = vector.shape_cast %swap3A_215 : vector<1x16xf32> to vector<16xf32>
      %swap3A_217 = vector.shape_cast %broadcast_in_dim3A_212 : vector<16xf32> to vector<1x16xf32>
      tpu.vector_store %arg11[%swap3A_213, %swap3A_214], %swap3A_217 {strides = array<i32>} : memref<64x128xf32, #tpu.memory_space<vmem>>, vector<1x16xf32>,
      %broadcast_in_dim3A_218 = arith.constant 0.000000e+00 : f32
      %broadcast_in_dim3A_219 = vector.broadcast %broadcast_in_dim3A_218 : f32 to vector<16xf32>
      %swap3A_220 = arith.index_cast %scan3A_202 : i32 to index
      %swap3A_221 = arith.constant 32 : index
      %swap3A_222 = tpu.vector_load %arg11[%swap3A_220, %swap3A_221] {strides = array<i32>} : memref<64x128xf32, #tpu.memory_space<vmem>>, vector<1x16xf32>,
      %swap3A_223 = vector.shape_cast %swap3A_222 : vector<1x16xf32> to vector<16xf32>
      %swap3A_224 = vector.shape_cast %broadcast_in_dim3A_219 : vector<16xf32> to vector<1x16xf32>
      tpu.vector_store %arg11[%swap3A_220, %swap3A_221], %swap3A_224 {strides = array<i32>} : memref<64x128xf32, #tpu.memory_space<vmem>>, vector<1x16xf32>,
      %broadcast_in_dim3A_225 = arith.constant 0.000000e+00 : f32
      %broadcast_in_dim3A_226 = vector.broadcast %broadcast_in_dim3A_225 : f32 to vector<16xf32>
      %swap3A_227 = arith.index_cast %scan3A_202 : i32 to index
      %swap3A_228 = arith.constant 48 : index
      %swap3A_229 = tpu.vector_load %arg11[%swap3A_227, %swap3A_228] {strides = array<i32>} : memref<64x128xf32, #tpu.memory_space<vmem>>, vector<1x16xf32>,
      %swap3A_230 = vector.shape_cast %swap3A_229 : vector<1x16xf32> to vector<16xf32>
      %swap3A_231 = vector.shape_cast %broadcast_in_dim3A_226 : vector<16xf32> to vector<1x16xf32>
      tpu.vector_store %arg11[%swap3A_227, %swap3A_228], %swap3A_231 {strides = array<i32>} : memref<64x128xf32, #tpu.memory_space<vmem>>, vector<1x16xf32>,
      %broadcast_in_dim3A_232 = arith.constant 0.000000e+00 : f32
      %broadcast_in_dim3A_233 = vector.broadcast %broadcast_in_dim3A_232 : f32 to vector<16xf32>
      %swap3A_234 = arith.index_cast %scan3A_202 : i32 to index
      %swap3A_235 = arith.constant 64 : index
      %swap3A_236 = tpu.vector_load %arg11[%swap3A_234, %swap3A_235] {strides = array<i32>} : memref<64x128xf32, #tpu.memory_space<vmem>>, vector<1x16xf32>,
      %swap3A_237 = vector.shape_cast %swap3A_236 : vector<1x16xf32> to vector<16xf32>
      %swap3A_238 = vector.shape_cast %broadcast_in_dim3A_233 : vector<16xf32> to vector<1x16xf32>
      tpu.vector_store %arg11[%swap3A_234, %swap3A_235], %swap3A_238 {strides = array<i32>} : memref<64x128xf32, #tpu.memory_space<vmem>>, vector<1x16xf32>,
      %broadcast_in_dim3A_239 = arith.constant 0.000000e+00 : f32
      %broadcast_in_dim3A_240 = vector.broadcast %broadcast_in_dim3A_239 : f32 to vector<16xf32>
      %swap3A_241 = arith.index_cast %scan3A_202 : i32 to index
      %swap3A_242 = arith.constant 80 : index
      %swap3A_243 = tpu.vector_load %arg11[%swap3A_241, %swap3A_242] {strides = array<i32>} : memref<64x128xf32, #tpu.memory_space<vmem>>, vector<1x16xf32>,
      %swap3A_244 = vector.shape_cast %swap3A_243 : vector<1x16xf32> to vector<16xf32>
      %swap3A_245 = vector.shape_cast %broadcast_in_dim3A_240 : vector<16xf32> to vector<1x16xf32>
      tpu.vector_store %arg11[%swap3A_241, %swap3A_242], %swap3A_245 {strides = array<i32>} : memref<64x128xf32, #tpu.memory_space<vmem>>, vector<1x16xf32>,
      %broadcast_in_dim3A_246 = arith.constant 0.000000e+00 : f32
      %broadcast_in_dim3A_247 = vector.broadcast %broadcast_in_dim3A_246 : f32 to vector<16xf32>
      %swap3A_248 = arith.index_cast %scan3A_202 : i32 to index
      %swap3A_249 = arith.constant 96 : index
      %swap3A_250 = tpu.vector_load %arg11[%swap3A_248, %swap3A_249] {strides = array<i32>} : memref<64x128xf32, #tpu.memory_space<vmem>>, vector<1x16xf32>,
      %swap3A_251 = vector.shape_cast %swap3A_250 : vector<1x16xf32> to vector<16xf32>
      %swap3A_252 = vector.shape_cast %broadcast_in_dim3A_247 : vector<16xf32> to vector<1x16xf32>
      tpu.vector_store %arg11[%swap3A_248, %swap3A_249], %swap3A_252 {strides = array<i32>} : memref<64x128xf32, #tpu.memory_space<vmem>>, vector<1x16xf32>,
      %broadcast_in_dim3A_253 = arith.constant 0.000000e+00 : f32
      %broadcast_in_dim3A_254 = vector.broadcast %broadcast_in_dim3A_253 : f32 to vector<16xf32>
      %swap3A_255 = arith.index_cast %scan3A_202 : i32 to index
      %swap3A_256 = arith.constant 112 : index
      %swap3A_257 = tpu.vector_load %arg11[%swap3A_255, %swap3A_256] {strides = array<i32>} : memref<64x128xf32, #tpu.memory_space<vmem>>, vector<1x16xf32>,
      %swap3A_258 = vector.shape_cast %swap3A_257 : vector<1x16xf32> to vector<16xf32>
      %swap3A_259 = vector.shape_cast %broadcast_in_dim3A_254 : vector<16xf32> to vector<1x16xf32>
      tpu.vector_store %arg11[%swap3A_255, %swap3A_256], %swap3A_259 {strides = array<i32>} : memref<64x128xf32, #tpu.memory_space<vmem>>, vector<1x16xf32>,
      %broadcast_in_dim3A_260 = arith.constant 0.000000e+00 : f32
      %broadcast_in_dim3A_261 = vector.broadcast %broadcast_in_dim3A_260 : f32 to vector<16xf32>
      %swap3A_262 = arith.index_cast %scan3A_202 : i32 to index
      %swap3A_263 = arith.constant 0 : index
      %swap3A_264 = tpu.vector_load %arg12[%swap3A_262, %swap3A_263] {strides = array<i32>} : memref<64x128xf32, #tpu.memory_space<vmem>>, vector<1x16xf32>,
      %swap3A_265 = vector.shape_cast %swap3A_264 : vector<1x16xf32> to vector<16xf32>
      %swap3A_266 = vector.shape_cast %broadcast_in_dim3A_261 : vector<16xf32> to vector<1x16xf32>
      tpu.vector_store %arg12[%swap3A_262, %swap3A_263], %swap3A_266 {strides = array<i32>} : memref<64x128xf32, #tpu.memory_space<vmem>>, vector<1x16xf32>,
      %broadcast_in_dim3A_267 = arith.constant 0.000000e+00 : f32
      %broadcast_in_dim3A_268 = vector.broadcast %broadcast_in_dim3A_267 : f32 to vector<16xf32>
      %swap3A_269 = arith.index_cast %scan3A_202 : i32 to index
      %swap3A_270 = arith.constant 16 : index
      %swap3A_271 = tpu.vector_load %arg12[%swap3A_269, %swap3A_270] {strides = array<i32>} : memref<64x128xf32, #tpu.memory_space<vmem>>, vector<1x16xf32>,
      %swap3A_272 = vector.shape_cast %swap3A_271 : vector<1x16xf32> to vector<16xf32>
      %swap3A_273 = vector.shape_cast %broadcast_in_dim3A_268 : vector<16xf32> to vector<1x16xf32>
      tpu.vector_store %arg12[%swap3A_269, %swap3A_270], %swap3A_273 {strides = array<i32>} : memref<64x128xf32, #tpu.memory_space<vmem>>, vector<1x16xf32>,
      %broadcast_in_dim3A_274 = arith.constant 0.000000e+00 : f32
      %broadcast_in_dim3A_275 = vector.broadcast %broadcast_in_dim3A_274 : f32 to vector<16xf32>
      %swap3A_276 = arith.index_cast %scan3A_202 : i32 to index
      %swap3A_277 = arith.constant 32 : index
      %swap3A_278 = tpu.vector_load %arg12[%swap3A_276, %swap3A_277] {strides = array<i32>} : memref<64x128xf32, #tpu.memory_space<vmem>>, vector<1x16xf32>,
      %swap3A_279 = vector.shape_cast %swap3A_278 : vector<1x16xf32> to vector<16xf32>
      %swap3A_280 = vector.shape_cast %broadcast_in_dim3A_275 : vector<16xf32> to vector<1x16xf32>
      tpu.vector_store %arg12[%swap3A_276, %swap3A_277], %swap3A_280 {strides = array<i32>} : memref<64x128xf32, #tpu.memory_space<vmem>>, vector<1x16xf32>,
      %broadcast_in_dim3A_281 = arith.constant 0.000000e+00 : f32
      %broadcast_in_dim3A_282 = vector.broadcast %broadcast_in_dim3A_281 : f32 to vector<16xf32>
      %swap3A_283 = arith.index_cast %scan3A_202 : i32 to index
      %swap3A_284 = arith.constant 48 : index
      %swap3A_285 = tpu.vector_load %arg12[%swap3A_283, %swap3A_284] {strides = array<i32>} : memref<64x128xf32, #tpu.memory_space<vmem>>, vector<1x16xf32>,
      %swap3A_286 = vector.shape_cast %swap3A_285 : vector<1x16xf32> to vector<16xf32>
      %swap3A_287 = vector.shape_cast %broadcast_in_dim3A_282 : vector<16xf32> to vector<1x16xf32>
      tpu.vector_store %arg12[%swap3A_283, %swap3A_284], %swap3A_287 {strides = array<i32>} : memref<64x128xf32, #tpu.memory_space<vmem>>, vector<1x16xf32>,
      %broadcast_in_dim3A_288 = arith.constant 0.000000e+00 : f32
      %broadcast_in_dim3A_289 = vector.broadcast %broadcast_in_dim3A_288 : f32 to vector<16xf32>
      %swap3A_290 = arith.index_cast %scan3A_202 : i32 to index
      %swap3A_291 = arith.constant 64 : index
      %swap3A_292 = tpu.vector_load %arg12[%swap3A_290, %swap3A_291] {strides = array<i32>} : memref<64x128xf32, #tpu.memory_space<vmem>>, vector<1x16xf32>,
      %swap3A_293 = vector.shape_cast %swap3A_292 : vector<1x16xf32> to vector<16xf32>
      %swap3A_294 = vector.shape_cast %broadcast_in_dim3A_289 : vector<16xf32> to vector<1x16xf32>
      tpu.vector_store %arg12[%swap3A_290, %swap3A_291], %swap3A_294 {strides = array<i32>} : memref<64x128xf32, #tpu.memory_space<vmem>>, vector<1x16xf32>,
      %broadcast_in_dim3A_295 = arith.constant 0.000000e+00 : f32
      %broadcast_in_dim3A_296 = vector.broadcast %broadcast_in_dim3A_295 : f32 to vector<16xf32>
      %swap3A_297 = arith.index_cast %scan3A_202 : i32 to index
      %swap3A_298 = arith.constant 80 : index
      %swap3A_299 = tpu.vector_load %arg12[%swap3A_297, %swap3A_298] {strides = array<i32>} : memref<64x128xf32, #tpu.memory_space<vmem>>, vector<1x16xf32>,
      %swap3A_300 = vector.shape_cast %swap3A_299 : vector<1x16xf32> to vector<16xf32>
      %swap3A_301 = vector.shape_cast %broadcast_in_dim3A_296 : vector<16xf32> to vector<1x16xf32>
      tpu.vector_store %arg12[%swap3A_297, %swap3A_298], %swap3A_301 {strides = array<i32>} : memref<64x128xf32, #tpu.memory_space<vmem>>, vector<1x16xf32>,
      %broadcast_in_dim3A_302 = arith.constant 0.000000e+00 : f32
      %broadcast_in_dim3A_303 = vector.broadcast %broadcast_in_dim3A_302 : f32 to vector<16xf32>
      %swap3A_304 = arith.index_cast %scan3A_202 : i32 to index
      %swap3A_305 = arith.constant 96 : index
      %swap3A_306 = tpu.vector_load %arg12[%swap3A_304, %swap3A_305] {strides = array<i32>} : memref<64x128xf32, #tpu.memory_space<vmem>>, vector<1x16xf32>,
      %swap3A_307 = vector.shape_cast %swap3A_306 : vector<1x16xf32> to vector<16xf32>
      %swap3A_308 = vector.shape_cast %broadcast_in_dim3A_303 : vector<16xf32> to vector<1x16xf32>
      tpu.vector_store %arg12[%swap3A_304, %swap3A_305], %swap3A_308 {strides = array<i32>} : memref<64x128xf32, #tpu.memory_space<vmem>>, vector<1x16xf32>,
      %broadcast_in_dim3A_309 = arith.constant 0.000000e+00 : f32
      %broadcast_in_dim3A_310 = vector.broadcast %broadcast_in_dim3A_309 : f32 to vector<16xf32>
      %swap3A_311 = arith.index_cast %scan3A_202 : i32 to index
      %swap3A_312 = arith.constant 112 : index
      %swap3A_313 = tpu.vector_load %arg12[%swap3A_311, %swap3A_312] {strides = array<i32>} : memref<64x128xf32, #tpu.memory_space<vmem>>, vector<1x16xf32>,
      %swap3A_314 = vector.shape_cast %swap3A_313 : vector<1x16xf32> to vector<16xf32>
      %swap3A_315 = vector.shape_cast %broadcast_in_dim3A_310 : vector<16xf32> to vector<1x16xf32>
      tpu.vector_store %arg12[%swap3A_311, %swap3A_312], %swap3A_315 {strides = array<i32>} : memref<64x128xf32, #tpu.memory_space<vmem>>, vector<1x16xf32>,
      %scan3A_316 = arith.constant 0 : i32
      scf.yield %scan3A_316 : i32
    }
    %scan3A_13 = arith.constant 64 : i32
    %mul3A_14 = arith.constant 64 : i32
    %mul3A_15 = arith.muli %arg1, %mul3A_14 : i32
    "tpu.region"() ({
      %run_scoped3A = tpu.sem_alloc : memref<!tpu.dma_semaphore, #tpu.memory_space<semaphore_mem>>
      %dma_start3A_202 = arith.constant 0 : i32
      %dma_start3A_203 = tpu.memref_slice %arg13[%mul3A_15, %dma_start3A_202] : memref<1040x128xf32, #tpu.memory_space<vmem_shared>> -> memref<64x128xf32, #tpu.memory_space<vmem_shared>>
      %dma_start3A_204 = arith.constant 0 : i32
      %dma_start3A_205 = tpu.memref_slice %arg13[%mul3A_15, %dma_start3A_204] : memref<1040x128xf32, #tpu.memory_space<vmem_shared>> -> memref<64x128xf32, #tpu.memory_space<vmem_shared>>
      tpu.enqueue_dma source(%arg11 : memref<64x128xf32, #tpu.memory_space<vmem>>) target(%dma_start3A_205 : memref<64x128xf32, #tpu.memory_space<vmem_shared>>) target_semaphore(%run_scoped3A : memref<!tpu.dma_semaphore, #tpu.memory_space<semaphore_mem>>)
      %dma_wait3A_206 = arith.constant 0 : i32
      %dma_wait3A_207 = tpu.memref_slice %arg13[%mul3A_15, %dma_wait3A_206] : memref<1040x128xf32, #tpu.memory_space<vmem_shared>> -> memref<64x128xf32, #tpu.memory_space<vmem_shared>>
      %dma_wait3A_208 = arith.constant 0 : i32
      %dma_wait3A_209 = tpu.memref_slice %arg13[%mul3A_15, %dma_wait3A_208] : memref<1040x128xf32, #tpu.memory_space<vmem_shared>> -> memref<64x128xf32, #tpu.memory_space<vmem_shared>>
      tpu.wait_dma2 semaphore(%run_scoped3A : memref<!tpu.dma_semaphore, #tpu.memory_space<semaphore_mem>>) src(%arg11 : memref<64x128xf32, #tpu.memory_space<vmem>>) dst(%dma_wait3A_209 : memref<64x128xf32, #tpu.memory_space<vmem_shared>>)
      tpu.yield
    }) : () -> ()
    "tpu.region"() ({
      %run_scoped3A = tpu.sem_alloc : memref<!tpu.dma_semaphore, #tpu.memory_space<semaphore_mem>>
      %dma_start3A_202 = arith.constant 0 : i32
      %dma_start3A_203 = tpu.memref_slice %arg14[%mul3A_15, %dma_start3A_202] : memref<1040x128xf32, #tpu.memory_space<vmem_shared>> -> memref<64x128xf32, #tpu.memory_space<vmem_shared>>
      %dma_start3A_204 = arith.constant 0 : i32
      %dma_start3A_205 = tpu.memref_slice %arg14[%mul3A_15, %dma_start3A_204] : memref<1040x128xf32, #tpu.memory_space<vmem_shared>> -> memref<64x128xf32, #tpu.memory_space<vmem_shared>>
      tpu.enqueue_dma source(%arg12 : memref<64x128xf32, #tpu.memory_space<vmem>>) target(%dma_start3A_205 : memref<64x128xf32, #tpu.memory_space<vmem_shared>>) target_semaphore(%run_scoped3A : memref<!tpu.dma_semaphore, #tpu.memory_space<semaphore_mem>>)
      %dma_wait3A_206 = arith.constant 0 : i32
      %dma_wait3A_207 = tpu.memref_slice %arg14[%mul3A_15, %dma_wait3A_206] : memref<1040x128xf32, #tpu.memory_space<vmem_shared>> -> memref<64x128xf32, #tpu.memory_space<vmem_shared>>
      %dma_wait3A_208 = arith.constant 0 : i32
      %dma_wait3A_209 = tpu.memref_slice %arg14[%mul3A_15, %dma_wait3A_208] : memref<1040x128xf32, #tpu.memory_space<vmem_shared>> -> memref<64x128xf32, #tpu.memory_space<vmem_shared>>
      tpu.wait_dma2 semaphore(%run_scoped3A : memref<!tpu.dma_semaphore, #tpu.memory_space<semaphore_mem>>) src(%arg12 : memref<64x128xf32, #tpu.memory_space<vmem>>) dst(%dma_wait3A_209 : memref<64x128xf32, #tpu.memory_space<vmem_shared>>)
      tpu.yield
    }) : () -> ()
    %barrier3A = arith.constant 0 : index
    tpu.barrier barrier_id(%barrier3A)
    %mul3A_16 = arith.constant 3128 : i32
    %mul3A_17 = arith.muli %add3A, %mul3A_16 : i32
    %add3A_18 = arith.constant 3128 : i32
    %add3A_19 = arith.addi %mul3A_17, %add3A_18 : i32
    %min3A = arith.constant 100000 : i32
    %min3A_20 = arith.minsi %add3A_19, %min3A : i32
    %add3A_21 = arith.constant 0 : i32
    %add3A_22 = arith.addi %mul3A_17, %add3A_21 : i32
    %min3A_23 = arith.constant 99872 : i32
    %min3A_24 = arith.minsi %add3A_22, %min3A_23 : i32
    %dma_start3A = tpu.memref_slice %arg3[%min3A_24] : memref<100000xi32, #tpu.memory_space<hbm>> -> memref<128xi32, #tpu.memory_space<hbm>>
    %dma_start3A_25 = tpu.memref_slice %arg3[%min3A_24] : memref<100000xi32, #tpu.memory_space<hbm>> -> memref<128xi32, #tpu.memory_space<hbm>>
    tpu.enqueue_dma source(%dma_start3A_25 : memref<128xi32, #tpu.memory_space<hbm>>) target(%arg8 : memref<128xi32, #tpu.memory_space<vmem>>) target_semaphore(%arg15 : memref<!tpu.dma_semaphore, #tpu.memory_space<semaphore_mem>>)
    %dma_start3A_26 = arith.constant 0 : i32
    %dma_start3A_27 = tpu.memref_slice %arg2[%min3A_24, %dma_start3A_26] : memref<100000x128xf32, #tpu.memory_space<hbm>> -> memref<128x128xf32, #tpu.memory_space<hbm>>
    %dma_start3A_28 = arith.constant 0 : i32
    %dma_start3A_29 = tpu.memref_slice %arg2[%min3A_24, %dma_start3A_28] : memref<100000x128xf32, #tpu.memory_space<hbm>> -> memref<128x128xf32, #tpu.memory_space<hbm>>
    tpu.enqueue_dma source(%dma_start3A_29 : memref<128x128xf32, #tpu.memory_space<hbm>>) target(%arg6 : memref<128x128xf32, #tpu.memory_space<vmem>>) target_semaphore(%arg15 : memref<!tpu.dma_semaphore, #tpu.memory_space<semaphore_mem>>)
    %scan3A_30 = arith.constant 0 : i32
    %scan3A_31 = arith.constant 0 : i32
    %scan3A_32 = arith.constant 12 : i32
    %scan3A_33 = arith.addi %scan3A_31, %scan3A_32 : i32
    %scan3A_34 = arith.constant 1 : i32
    %scan3A_35 = scf.for %scan3A_202 = %scan3A_31 to %scan3A_33 step %scan3A_34 iter_args(%scan3A_203 = %scan3A_30) -> (i32)  : i32 {
      %mul3A_204 = arith.constant 2 : i32
      %mul3A_205 = arith.muli %scan3A_202, %mul3A_204 : i32
      %add3A_206 = arith.constant 0 : i32
      %add3A_207 = arith.addi %mul3A_205, %add3A_206 : i32
      %add3A_208 = arith.constant 1 : i32
      %add3A_209 = arith.addi %add3A_207, %add3A_208 : i32
      %mul3A_210 = arith.constant 128 : i32
      %mul3A_211 = arith.muli %add3A_209, %mul3A_210 : i32
      %add3A_212 = arith.addi %mul3A_17, %mul3A_211 : i32
      %min3A_213 = arith.constant 99872 : i32
      %min3A_214 = arith.minsi %add3A_212, %min3A_213 : i32
      %dma_start3A_215 = tpu.memref_slice %arg3[%min3A_214] : memref<100000xi32, #tpu.memory_space<hbm>> -> memref<128xi32, #tpu.memory_space<hbm>>
      %dma_start3A_216 = tpu.memref_slice %arg3[%min3A_214] : memref<100000xi32, #tpu.memory_space<hbm>> -> memref<128xi32, #tpu.memory_space<hbm>>
      tpu.enqueue_dma source(%dma_start3A_216 : memref<128xi32, #tpu.memory_space<hbm>>) target(%arg9 : memref<128xi32, #tpu.memory_space<vmem>>) target_semaphore(%arg16 : memref<!tpu.dma_semaphore, #tpu.memory_space<semaphore_mem>>)
      %dma_start3A_217 = arith.constant 0 : i32
      %dma_start3A_218 = tpu.memref_slice %arg2[%min3A_214, %dma_start3A_217] : memref<100000x128xf32, #tpu.memory_space<hbm>> -> memref<128x128xf32, #tpu.memory_space<hbm>>
      %dma_start3A_219 = arith.constant 0 : i32
      %dma_start3A_220 = tpu.memref_slice %arg2[%min3A_214, %dma_start3A_219] : memref<100000x128xf32, #tpu.memory_space<hbm>> -> memref<128x128xf32, #tpu.memory_space<hbm>>
      tpu.enqueue_dma source(%dma_start3A_220 : memref<128x128xf32, #tpu.memory_space<hbm>>) target(%arg7 : memref<128x128xf32, #tpu.memory_space<vmem>>) target_semaphore(%arg16 : memref<!tpu.dma_semaphore, #tpu.memory_space<semaphore_mem>>)
      %mul3A_221 = arith.constant 128 : i32
      %mul3A_222 = arith.muli %add3A_207, %mul3A_221 : i32
      %add3A_223 = arith.addi %mul3A_17, %mul3A_222 : i32
      %min3A_224 = arith.constant 99872 : i32
      %min3A_225 = arith.minsi %add3A_223, %min3A_224 : i32
      %dma_wait3A_226 = arith.constant 0 : i32
      %dma_wait3A_227 = tpu.memref_slice %arg3[%dma_wait3A_226] : memref<100000xi32, #tpu.memory_space<hbm>> -> memref<128xi32, #tpu.memory_space<hbm>>
      %dma_wait3A_228 = arith.constant 0 : i32
      %dma_wait3A_229 = tpu.memref_slice %arg3[%dma_wait3A_228] : memref<100000xi32, #tpu.memory_space<hbm>> -> memref<128xi32, #tpu.memory_space<hbm>>
      tpu.wait_dma2 semaphore(%arg15 : memref<!tpu.dma_semaphore, #tpu.memory_space<semaphore_mem>>) src(%dma_wait3A_229 : memref<128xi32, #tpu.memory_space<hbm>>) dst(%arg8 : memref<128xi32, #tpu.memory_space<vmem>>)
      %dma_wait3A_230 = arith.constant 0 : i32
      %dma_wait3A_231 = arith.constant 0 : i32
      %dma_wait3A_232 = tpu.memref_slice %arg2[%dma_wait3A_230, %dma_wait3A_231] : memref<100000x128xf32, #tpu.memory_space<hbm>> -> memref<128x128xf32, #tpu.memory_space<hbm>>
      %dma_wait3A_233 = arith.constant 0 : i32
      %dma_wait3A_234 = arith.constant 0 : i32
      %dma_wait3A_235 = tpu.memref_slice %arg2[%dma_wait3A_233, %dma_wait3A_234] : memref<100000x128xf32, #tpu.memory_space<hbm>> -> memref<128x128xf32, #tpu.memory_space<hbm>>
      tpu.wait_dma2 semaphore(%arg15 : memref<!tpu.dma_semaphore, #tpu.memory_space<semaphore_mem>>) src(%dma_wait3A_235 : memref<128x128xf32, #tpu.memory_space<hbm>>) dst(%arg6 : memref<128x128xf32, #tpu.memory_space<vmem>>)
      %add3A_236 = arith.constant 0 : i32
      %add3A_237 = arith.addi %min3A_225, %add3A_236 : i32
      %iota3A_238 = tpu.iota {dimensions = array<i32: 0>} : vector<16xi32>
      %add3A_239 = vector.broadcast %add3A_237 : i32 to vector<16xi32>
      %add3A_240 = arith.addi %add3A_239, %iota3A_238 : vector<16xi32>
      %get3A_241 = arith.constant 0 : index
      %get3A_242 = tpu.vector_load %arg8[%get3A_241] {strides = array<i32>} : memref<128xi32, #tpu.memory_space<vmem>>, vector<16xi32>,
      %get3A_243 = vector.shape_cast %get3A_242 : vector<16xi32> to vector<16xi32>
      %ge3A_244 = vector.broadcast %add3A_223 : i32 to vector<16xi32>
      %ge3A_245 = arith.cmpi sge, %add3A_240, %ge3A_244 : vector<16xi32>
      %lt3A_246 = vector.broadcast %min3A_20 : i32 to vector<16xi32>
      %lt3A_247 = arith.cmpi slt, %add3A_240, %lt3A_246 : vector<16xi32>
      %and3A_248 = arith.andi %ge3A_245, %lt3A_247 : vector<16xi1>
      %jit3A_249 = arith.constant 1024 : i32
      %broadcast_in_dim3A_250 = vector.broadcast %jit3A_249 : i32 to vector<16xi32>
      %select_n3A_251 = arith.select %and3A_248, %get3A_243, %broadcast_in_dim3A_250 : vector<16xi1>, vector<16xi32>
      %swap3A_252 = arith.constant 0 : index
      %swap3A_253 = tpu.vector_load %arg8[%swap3A_252] {strides = array<i32>} : memref<128xi32, #tpu.memory_space<vmem>>, vector<16xi32>,
      %swap3A_254 = vector.shape_cast %swap3A_253 : vector<16xi32> to vector<16xi32>
      %swap3A_255 = vector.shape_cast %select_n3A_251 : vector<16xi32> to vector<16xi32>
      tpu.vector_store %arg8[%swap3A_252], %swap3A_255 {strides = array<i32>} : memref<128xi32, #tpu.memory_space<vmem>>, vector<16xi32>,
      %add3A_256 = arith.constant 16 : i32
      %add3A_257 = arith.addi %min3A_225, %add3A_256 : i32
      %iota3A_258 = tpu.iota {dimensions = array<i32: 0>} : vector<16xi32>
      %add3A_259 = vector.broadcast %add3A_257 : i32 to vector<16xi32>
      %add3A_260 = arith.addi %add3A_259, %iota3A_258 : vector<16xi32>
      %get3A_261 = arith.constant 16 : index
      %get3A_262 = tpu.vector_load %arg8[%get3A_261] {strides = array<i32>} : memref<128xi32, #tpu.memory_space<vmem>>, vector<16xi32>,
      %get3A_263 = vector.shape_cast %get3A_262 : vector<16xi32> to vector<16xi32>
      %ge3A_264 = vector.broadcast %add3A_223 : i32 to vector<16xi32>
      %ge3A_265 = arith.cmpi sge, %add3A_260, %ge3A_264 : vector<16xi32>
      %lt3A_266 = vector.broadcast %min3A_20 : i32 to vector<16xi32>
      %lt3A_267 = arith.cmpi slt, %add3A_260, %lt3A_266 : vector<16xi32>
      %and3A_268 = arith.andi %ge3A_265, %lt3A_267 : vector<16xi1>
      %jit3A_269 = arith.constant 1024 : i32
      %broadcast_in_dim3A_270 = vector.broadcast %jit3A_269 : i32 to vector<16xi32>
      %select_n3A_271 = arith.select %and3A_268, %get3A_263, %broadcast_in_dim3A_270 : vector<16xi1>, vector<16xi32>
      %swap3A_272 = arith.constant 16 : index
      %swap3A_273 = tpu.vector_load %arg8[%swap3A_272] {strides = array<i32>} : memref<128xi32, #tpu.memory_space<vmem>>, vector<16xi32>,
      %swap3A_274 = vector.shape_cast %swap3A_273 : vector<16xi32> to vector<16xi32>
      %swap3A_275 = vector.shape_cast %select_n3A_271 : vector<16xi32> to vector<16xi32>
      tpu.vector_store %arg8[%swap3A_272], %swap3A_275 {strides = array<i32>} : memref<128xi32, #tpu.memory_space<vmem>>, vector<16xi32>,
      %add3A_276 = arith.constant 32 : i32
      %add3A_277 = arith.addi %min3A_225, %add3A_276 : i32
      %iota3A_278 = tpu.iota {dimensions = array<i32: 0>} : vector<16xi32>
      %add3A_279 = vector.broadcast %add3A_277 : i32 to vector<16xi32>
      %add3A_280 = arith.addi %add3A_279, %iota3A_278 : vector<16xi32>
      %get3A_281 = arith.constant 32 : index
      %get3A_282 = tpu.vector_load %arg8[%get3A_281] {strides = array<i32>} : memref<128xi32, #tpu.memory_space<vmem>>, vector<16xi32>,
      %get3A_283 = vector.shape_cast %get3A_282 : vector<16xi32> to vector<16xi32>
      %ge3A_284 = vector.broadcast %add3A_223 : i32 to vector<16xi32>
      %ge3A_285 = arith.cmpi sge, %add3A_280, %ge3A_284 : vector<16xi32>
      %lt3A_286 = vector.broadcast %min3A_20 : i32 to vector<16xi32>
      %lt3A_287 = arith.cmpi slt, %add3A_280, %lt3A_286 : vector<16xi32>
      %and3A_288 = arith.andi %ge3A_285, %lt3A_287 : vector<16xi1>
      %jit3A_289 = arith.constant 1024 : i32
      %broadcast_in_dim3A_290 = vector.broadcast %jit3A_289 : i32 to vector<16xi32>
      %select_n3A_291 = arith.select %and3A_288, %get3A_283, %broadcast_in_dim3A_290 : vector<16xi1>, vector<16xi32>
      %swap3A_292 = arith.constant 32 : index
      %swap3A_293 = tpu.vector_load %arg8[%swap3A_292] {strides = array<i32>} : memref<128xi32, #tpu.memory_space<vmem>>, vector<16xi32>,
      %swap3A_294 = vector.shape_cast %swap3A_293 : vector<16xi32> to vector<16xi32>
      %swap3A_295 = vector.shape_cast %select_n3A_291 : vector<16xi32> to vector<16xi32>
      tpu.vector_store %arg8[%swap3A_292], %swap3A_295 {strides = array<i32>} : memref<128xi32, #tpu.memory_space<vmem>>, vector<16xi32>,
      %add3A_296 = arith.constant 48 : i32
      %add3A_297 = arith.addi %min3A_225, %add3A_296 : i32
      %iota3A_298 = tpu.iota {dimensions = array<i32: 0>} : vector<16xi32>
      %add3A_299 = vector.broadcast %add3A_297 : i32 to vector<16xi32>
      %add3A_300 = arith.addi %add3A_299, %iota3A_298 : vector<16xi32>
      %get3A_301 = arith.constant 48 : index
      %get3A_302 = tpu.vector_load %arg8[%get3A_301] {strides = array<i32>} : memref<128xi32, #tpu.memory_space<vmem>>, vector<16xi32>,
      %get3A_303 = vector.shape_cast %get3A_302 : vector<16xi32> to vector<16xi32>
      %ge3A_304 = vector.broadcast %add3A_223 : i32 to vector<16xi32>
      %ge3A_305 = arith.cmpi sge, %add3A_300, %ge3A_304 : vector<16xi32>
      %lt3A_306 = vector.broadcast %min3A_20 : i32 to vector<16xi32>
      %lt3A_307 = arith.cmpi slt, %add3A_300, %lt3A_306 : vector<16xi32>
      %and3A_308 = arith.andi %ge3A_305, %lt3A_307 : vector<16xi1>
      %jit3A_309 = arith.constant 1024 : i32
      %broadcast_in_dim3A_310 = vector.broadcast %jit3A_309 : i32 to vector<16xi32>
      %select_n3A_311 = arith.select %and3A_308, %get3A_303, %broadcast_in_dim3A_310 : vector<16xi1>, vector<16xi32>
      %swap3A_312 = arith.constant 48 : index
      %swap3A_313 = tpu.vector_load %arg8[%swap3A_312] {strides = array<i32>} : memref<128xi32, #tpu.memory_space<vmem>>, vector<16xi32>,
      %swap3A_314 = vector.shape_cast %swap3A_313 : vector<16xi32> to vector<16xi32>
      %swap3A_315 = vector.shape_cast %select_n3A_311 : vector<16xi32> to vector<16xi32>
      tpu.vector_store %arg8[%swap3A_312], %swap3A_315 {strides = array<i32>} : memref<128xi32, #tpu.memory_space<vmem>>, vector<16xi32>,
      %add3A_316 = arith.constant 64 : i32
      %add3A_317 = arith.addi %min3A_225, %add3A_316 : i32
      %iota3A_318 = tpu.iota {dimensions = array<i32: 0>} : vector<16xi32>
      %add3A_319 = vector.broadcast %add3A_317 : i32 to vector<16xi32>
      %add3A_320 = arith.addi %add3A_319, %iota3A_318 : vector<16xi32>
      %get3A_321 = arith.constant 64 : index
      %get3A_322 = tpu.vector_load %arg8[%get3A_321] {strides = array<i32>} : memref<128xi32, #tpu.memory_space<vmem>>, vector<16xi32>,
      %get3A_323 = vector.shape_cast %get3A_322 : vector<16xi32> to vector<16xi32>
      %ge3A_324 = vector.broadcast %add3A_223 : i32 to vector<16xi32>
      %ge3A_325 = arith.cmpi sge, %add3A_320, %ge3A_324 : vector<16xi32>
      %lt3A_326 = vector.broadcast %min3A_20 : i32 to vector<16xi32>
      %lt3A_327 = arith.cmpi slt, %add3A_320, %lt3A_326 : vector<16xi32>
      %and3A_328 = arith.andi %ge3A_325, %lt3A_327 : vector<16xi1>
      %jit3A_329 = arith.constant 1024 : i32
      %broadcast_in_dim3A_330 = vector.broadcast %jit3A_329 : i32 to vector<16xi32>
      %select_n3A_331 = arith.select %and3A_328, %get3A_323, %broadcast_in_dim3A_330 : vector<16xi1>, vector<16xi32>
      %swap3A_332 = arith.constant 64 : index
      %swap3A_333 = tpu.vector_load %arg8[%swap3A_332] {strides = array<i32>} : memref<128xi32, #tpu.memory_space<vmem>>, vector<16xi32>,
      %swap3A_334 = vector.shape_cast %swap3A_333 : vector<16xi32> to vector<16xi32>
      %swap3A_335 = vector.shape_cast %select_n3A_331 : vector<16xi32> to vector<16xi32>
      tpu.vector_store %arg8[%swap3A_332], %swap3A_335 {strides = array<i32>} : memref<128xi32, #tpu.memory_space<vmem>>, vector<16xi32>,
      %add3A_336 = arith.constant 80 : i32
      %add3A_337 = arith.addi %min3A_225, %add3A_336 : i32
      %iota3A_338 = tpu.iota {dimensions = array<i32: 0>} : vector<16xi32>
      %add3A_339 = vector.broadcast %add3A_337 : i32 to vector<16xi32>
      %add3A_340 = arith.addi %add3A_339, %iota3A_338 : vector<16xi32>
      %get3A_341 = arith.constant 80 : index
      %get3A_342 = tpu.vector_load %arg8[%get3A_341] {strides = array<i32>} : memref<128xi32, #tpu.memory_space<vmem>>, vector<16xi32>,
      %get3A_343 = vector.shape_cast %get3A_342 : vector<16xi32> to vector<16xi32>
      %ge3A_344 = vector.broadcast %add3A_223 : i32 to vector<16xi32>
      %ge3A_345 = arith.cmpi sge, %add3A_340, %ge3A_344 : vector<16xi32>
      %lt3A_346 = vector.broadcast %min3A_20 : i32 to vector<16xi32>
      %lt3A_347 = arith.cmpi slt, %add3A_340, %lt3A_346 : vector<16xi32>
      %and3A_348 = arith.andi %ge3A_345, %lt3A_347 : vector<16xi1>
      %jit3A_349 = arith.constant 1024 : i32
      %broadcast_in_dim3A_350 = vector.broadcast %jit3A_349 : i32 to vector<16xi32>
      %select_n3A_351 = arith.select %and3A_348, %get3A_343, %broadcast_in_dim3A_350 : vector<16xi1>, vector<16xi32>
      %swap3A_352 = arith.constant 80 : index
      %swap3A_353 = tpu.vector_load %arg8[%swap3A_352] {strides = array<i32>} : memref<128xi32, #tpu.memory_space<vmem>>, vector<16xi32>,
      %swap3A_354 = vector.shape_cast %swap3A_353 : vector<16xi32> to vector<16xi32>
      %swap3A_355 = vector.shape_cast %select_n3A_351 : vector<16xi32> to vector<16xi32>
      tpu.vector_store %arg8[%swap3A_352], %swap3A_355 {strides = array<i32>} : memref<128xi32, #tpu.memory_space<vmem>>, vector<16xi32>,
      %add3A_356 = arith.constant 96 : i32
      %add3A_357 = arith.addi %min3A_225, %add3A_356 : i32
      %iota3A_358 = tpu.iota {dimensions = array<i32: 0>} : vector<16xi32>
      %add3A_359 = vector.broadcast %add3A_357 : i32 to vector<16xi32>
      %add3A_360 = arith.addi %add3A_359, %iota3A_358 : vector<16xi32>
      %get3A_361 = arith.constant 96 : index
      %get3A_362 = tpu.vector_load %arg8[%get3A_361] {strides = array<i32>} : memref<128xi32, #tpu.memory_space<vmem>>, vector<16xi32>,
      %get3A_363 = vector.shape_cast %get3A_362 : vector<16xi32> to vector<16xi32>
      %ge3A_364 = vector.broadcast %add3A_223 : i32 to vector<16xi32>
      %ge3A_365 = arith.cmpi sge, %add3A_360, %ge3A_364 : vector<16xi32>
      %lt3A_366 = vector.broadcast %min3A_20 : i32 to vector<16xi32>
      %lt3A_367 = arith.cmpi slt, %add3A_360, %lt3A_366 : vector<16xi32>
      %and3A_368 = arith.andi %ge3A_365, %lt3A_367 : vector<16xi1>
      %jit3A_369 = arith.constant 1024 : i32
      %broadcast_in_dim3A_370 = vector.broadcast %jit3A_369 : i32 to vector<16xi32>
      %select_n3A_371 = arith.select %and3A_368, %get3A_363, %broadcast_in_dim3A_370 : vector<16xi1>, vector<16xi32>
      %swap3A_372 = arith.constant 96 : index
      %swap3A_373 = tpu.vector_load %arg8[%swap3A_372] {strides = array<i32>} : memref<128xi32, #tpu.memory_space<vmem>>, vector<16xi32>,
      %swap3A_374 = vector.shape_cast %swap3A_373 : vector<16xi32> to vector<16xi32>
      %swap3A_375 = vector.shape_cast %select_n3A_371 : vector<16xi32> to vector<16xi32>
      tpu.vector_store %arg8[%swap3A_372], %swap3A_375 {strides = array<i32>} : memref<128xi32, #tpu.memory_space<vmem>>, vector<16xi32>,
      %add3A_376 = arith.constant 112 : i32
      %add3A_377 = arith.addi %min3A_225, %add3A_376 : i32
      %iota3A_378 = tpu.iota {dimensions = array<i32: 0>} : vector<16xi32>
      %add3A_379 = vector.broadcast %add3A_377 : i32 to vector<16xi32>
      %add3A_380 = arith.addi %add3A_379, %iota3A_378 : vector<16xi32>
      %get3A_381 = arith.constant 112 : index
      %get3A_382 = tpu.vector_load %arg8[%get3A_381] {strides = array<i32>} : memref<128xi32, #tpu.memory_space<vmem>>, vector<16xi32>,
      %get3A_383 = vector.shape_cast %get3A_382 : vector<16xi32> to vector<16xi32>
      %ge3A_384 = vector.broadcast %add3A_223 : i32 to vector<16xi32>
      %ge3A_385 = arith.cmpi sge, %add3A_380, %ge3A_384 : vector<16xi32>
      %lt3A_386 = vector.broadcast %min3A_20 : i32 to vector<16xi32>
      %lt3A_387 = arith.cmpi slt, %add3A_380, %lt3A_386 : vector<16xi32>
      %and3A_388 = arith.andi %ge3A_385, %lt3A_387 : vector<16xi1>
      %jit3A_389 = arith.constant 1024 : i32
      %broadcast_in_dim3A_390 = vector.broadcast %jit3A_389 : i32 to vector<16xi32>
      %select_n3A_391 = arith.select %and3A_388, %get3A_383, %broadcast_in_dim3A_390 : vector<16xi1>, vector<16xi32>
      %swap3A_392 = arith.constant 112 : index
      %swap3A_393 = tpu.vector_load %arg8[%swap3A_392] {strides = array<i32>} : memref<128xi32, #tpu.memory_space<vmem>>, vector<16xi32>,
      %swap3A_394 = vector.shape_cast %swap3A_393 : vector<16xi32> to vector<16xi32>
      %swap3A_395 = vector.shape_cast %select_n3A_391 : vector<16xi32> to vector<16xi32>
      tpu.vector_store %arg8[%swap3A_392], %swap3A_395 {strides = array<i32>} : memref<128xi32, #tpu.memory_space<vmem>>, vector<16xi32>,
      "tpu.region"() ({
        %run_scoped3A = tpu.sem_alloc : memref<!tpu.dma_semaphore, #tpu.memory_space<semaphore_mem>>
        %dma_start3A_589 = arith.constant 0 : i32
        %dma_start3A_590 = arith.constant 0 : i32
        %dma_start3A_591 = tpu.memref_slice %arg13[%dma_start3A_589, %dma_start3A_590] : memref<1040x128xf32, #tpu.memory_space<vmem_shared>> -> memref<1040x128xf32, #tpu.memory_space<vmem_shared>>
        tpu.enqueue_indirect_dma source(%arg6 : memref<128x128xf32, #tpu.memory_space<vmem>>) target(%dma_start3A_591 : memref<1040x128xf32, #tpu.memory_space<vmem_shared>>) offsets(%arg8 : memref<128xi32, #tpu.memory_space<vmem>>) semaphore(%run_scoped3A : memref<!tpu.dma_semaphore, #tpu.memory_space<semaphore_mem>>) {add = true}
        %dma_wait3A_592 = arith.constant 0 : i32
        %dma_wait3A_593 = arith.constant 0 : i32
        %dma_wait3A_594 = tpu.memref_slice %arg13[%dma_wait3A_592, %dma_wait3A_593] : memref<1040x128xf32, #tpu.memory_space<vmem_shared>> -> memref<1040x128xf32, #tpu.memory_space<vmem_shared>>
        tpu.wait_indirect_dma semaphore(%run_scoped3A : memref<!tpu.dma_semaphore, #tpu.memory_space<semaphore_mem>>) src(%arg6 : memref<128x128xf32, #tpu.memory_space<vmem>>) dst(%dma_wait3A_594 : memref<1040x128xf32, #tpu.memory_space<vmem_shared>>)
        tpu.yield
      }) : () -> ()
      "tpu.region"() ({
        %run_scoped3A = tpu.sem_alloc : memref<!tpu.dma_semaphore, #tpu.memory_space<semaphore_mem>>
        %dma_start3A_589 = arith.constant 0 : i32
        %dma_start3A_590 = arith.constant 0 : i32
        %dma_start3A_591 = tpu.memref_slice %arg14[%dma_start3A_589, %dma_start3A_590] : memref<1040x128xf32, #tpu.memory_space<vmem_shared>> -> memref<1040x128xf32, #tpu.memory_space<vmem_shared>>
        tpu.enqueue_indirect_dma source(%arg10 : memref<128x128xf32, #tpu.memory_space<vmem>>) target(%dma_start3A_591 : memref<1040x128xf32, #tpu.memory_space<vmem_shared>>) offsets(%arg8 : memref<128xi32, #tpu.memory_space<vmem>>) semaphore(%run_scoped3A : memref<!tpu.dma_semaphore, #tpu.memory_space<semaphore_mem>>) {add = true}
        %dma_wait3A_592 = arith.constant 0 : i32
        %dma_wait3A_593 = arith.constant 0 : i32
        %dma_wait3A_594 = tpu.memref_slice %arg14[%dma_wait3A_592, %dma_wait3A_593] : memref<1040x128xf32, #tpu.memory_space<vmem_shared>> -> memref<1040x128xf32, #tpu.memory_space<vmem_shared>>
        tpu.wait_indirect_dma semaphore(%run_scoped3A : memref<!tpu.dma_semaphore, #tpu.memory_space<semaphore_mem>>) src(%arg10 : memref<128x128xf32, #tpu.memory_space<vmem>>) dst(%dma_wait3A_594 : memref<1040x128xf32, #tpu.memory_space<vmem_shared>>)
        tpu.yield
      }) : () -> ()
      %mul3A_396 = arith.constant 2 : i32
      %mul3A_397 = arith.muli %scan3A_202, %mul3A_396 : i32
      %add3A_398 = arith.constant 1 : i32
      %add3A_399 = arith.addi %mul3A_397, %add3A_398 : i32
      %add3A_400 = arith.constant 1 : i32
      %add3A_401 = arith.addi %add3A_399, %add3A_400 : i32
      %mul3A_402 = arith.constant 128 : i32
      %mul3A_403 = arith.muli %add3A_401, %mul3A_402 : i32
      %add3A_404 = arith.addi %mul3A_17, %mul3A_403 : i32
      %min3A_405 = arith.constant 99872 : i32
      %min3A_406 = arith.minsi %add3A_404, %min3A_405 : i32
      %dma_start3A_407 = tpu.memref_slice %arg3[%min3A_406] : memref<100000xi32, #tpu.memory_space<hbm>> -> memref<128xi32, #tpu.memory_space<hbm>>
      %dma_start3A_408 = tpu.memref_slice %arg3[%min3A_406] : memref<100000xi32, #tpu.memory_space<hbm>> -> memref<128xi32, #tpu.memory_space<hbm>>
      tpu.enqueue_dma source(%dma_start3A_408 : memref<128xi32, #tpu.memory_space<hbm>>) target(%arg8 : memref<128xi32, #tpu.memory_space<vmem>>) target_semaphore(%arg15 : memref<!tpu.dma_semaphore, #tpu.memory_space<semaphore_mem>>)
      %dma_start3A_409 = arith.constant 0 : i32
      %dma_start3A_410 = tpu.memref_slice %arg2[%min3A_406, %dma_start3A_409] : memref<100000x128xf32, #tpu.memory_space<hbm>> -> memref<128x128xf32, #tpu.memory_space<hbm>>
      %dma_start3A_411 = arith.constant 0 : i32
      %dma_start3A_412 = tpu.memref_slice %arg2[%min3A_406, %dma_start3A_411] : memref<100000x128xf32, #tpu.memory_space<hbm>> -> memref<128x128xf32, #tpu.memory_space<hbm>>
      tpu.enqueue_dma source(%dma_start3A_412 : memref<128x128xf32, #tpu.memory_space<hbm>>) target(%arg6 : memref<128x128xf32, #tpu.memory_space<vmem>>) target_semaphore(%arg15 : memref<!tpu.dma_semaphore, #tpu.memory_space<semaphore_mem>>)
      %mul3A_413 = arith.constant 128 : i32
      %mul3A_414 = arith.muli %add3A_399, %mul3A_413 : i32
      %add3A_415 = arith.addi %mul3A_17, %mul3A_414 : i32
      %min3A_416 = arith.constant 99872 : i32
      %min3A_417 = arith.minsi %add3A_415, %min3A_416 : i32
      %dma_wait3A_418 = arith.constant 0 : i32
      %dma_wait3A_419 = tpu.memref_slice %arg3[%dma_wait3A_418] : memref<100000xi32, #tpu.memory_space<hbm>> -> memref<128xi32, #tpu.memory_space<hbm>>
      %dma_wait3A_420 = arith.constant 0 : i32
      %dma_wait3A_421 = tpu.memref_slice %arg3[%dma_wait3A_420] : memref<100000xi32, #tpu.memory_space<hbm>> -> memref<128xi32, #tpu.memory_space<hbm>>
      tpu.wait_dma2 semaphore(%arg16 : memref<!tpu.dma_semaphore, #tpu.memory_space<semaphore_mem>>) src(%dma_wait3A_421 : memref<128xi32, #tpu.memory_space<hbm>>) dst(%arg9 : memref<128xi32, #tpu.memory_space<vmem>>)
      %dma_wait3A_422 = arith.constant 0 : i32
      %dma_wait3A_423 = arith.constant 0 : i32
      %dma_wait3A_424 = tpu.memref_slice %arg2[%dma_wait3A_422, %dma_wait3A_423] : memref<100000x128xf32, #tpu.memory_space<hbm>> -> memref<128x128xf32, #tpu.memory_space<hbm>>
      %dma_wait3A_425 = arith.constant 0 : i32
      %dma_wait3A_426 = arith.constant 0 : i32
      %dma_wait3A_427 = tpu.memref_slice %arg2[%dma_wait3A_425, %dma_wait3A_426] : memref<100000x128xf32, #tpu.memory_space<hbm>> -> memref<128x128xf32, #tpu.memory_space<hbm>>
      tpu.wait_dma2 semaphore(%arg16 : memref<!tpu.dma_semaphore, #tpu.memory_space<semaphore_mem>>) src(%dma_wait3A_427 : memref<128x128xf32, #tpu.memory_space<hbm>>) dst(%arg7 : memref<128x128xf32, #tpu.memory_space<vmem>>)
      %add3A_428 = arith.constant 0 : i32
      %add3A_429 = arith.addi %min3A_417, %add3A_428 : i32
      %iota3A_430 = tpu.iota {dimensions = array<i32: 0>} : vector<16xi32>
      %add3A_431 = vector.broadcast %add3A_429 : i32 to vector<16xi32>
      %add3A_432 = arith.addi %add3A_431, %iota3A_430 : vector<16xi32>
      %get3A_433 = arith.constant 0 : index
      %get3A_434 = tpu.vector_load %arg9[%get3A_433] {strides = array<i32>} : memref<128xi32, #tpu.memory_space<vmem>>, vector<16xi32>,
      %get3A_435 = vector.shape_cast %get3A_434 : vector<16xi32> to vector<16xi32>
      %ge3A_436 = vector.broadcast %add3A_415 : i32 to vector<16xi32>
      %ge3A_437 = arith.cmpi sge, %add3A_432, %ge3A_436 : vector<16xi32>
      %lt3A_438 = vector.broadcast %min3A_20 : i32 to vector<16xi32>
      %lt3A_439 = arith.cmpi slt, %add3A_432, %lt3A_438 : vector<16xi32>
      %and3A_440 = arith.andi %ge3A_437, %lt3A_439 : vector<16xi1>
      %jit3A_441 = arith.constant 1024 : i32
      %broadcast_in_dim3A_442 = vector.broadcast %jit3A_441 : i32 to vector<16xi32>
      %select_n3A_443 = arith.select %and3A_440, %get3A_435, %broadcast_in_dim3A_442 : vector<16xi1>, vector<16xi32>
      %swap3A_444 = arith.constant 0 : index
      %swap3A_445 = tpu.vector_load %arg9[%swap3A_444] {strides = array<i32>} : memref<128xi32, #tpu.memory_space<vmem>>, vector<16xi32>,
      %swap3A_446 = vector.shape_cast %swap3A_445 : vector<16xi32> to vector<16xi32>
      %swap3A_447 = vector.shape_cast %select_n3A_443 : vector<16xi32> to vector<16xi32>
      tpu.vector_store %arg9[%swap3A_444], %swap3A_447 {strides = array<i32>} : memref<128xi32, #tpu.memory_space<vmem>>, vector<16xi32>,
      %add3A_448 = arith.constant 16 : i32
      %add3A_449 = arith.addi %min3A_417, %add3A_448 : i32
      %iota3A_450 = tpu.iota {dimensions = array<i32: 0>} : vector<16xi32>
      %add3A_451 = vector.broadcast %add3A_449 : i32 to vector<16xi32>
      %add3A_452 = arith.addi %add3A_451, %iota3A_450 : vector<16xi32>
      %get3A_453 = arith.constant 16 : index
      %get3A_454 = tpu.vector_load %arg9[%get3A_453] {strides = array<i32>} : memref<128xi32, #tpu.memory_space<vmem>>, vector<16xi32>,
      %get3A_455 = vector.shape_cast %get3A_454 : vector<16xi32> to vector<16xi32>
      %ge3A_456 = vector.broadcast %add3A_415 : i32 to vector<16xi32>
      %ge3A_457 = arith.cmpi sge, %add3A_452, %ge3A_456 : vector<16xi32>
      %lt3A_458 = vector.broadcast %min3A_20 : i32 to vector<16xi32>
      %lt3A_459 = arith.cmpi slt, %add3A_452, %lt3A_458 : vector<16xi32>
      %and3A_460 = arith.andi %ge3A_457, %lt3A_459 : vector<16xi1>
      %jit3A_461 = arith.constant 1024 : i32
      %broadcast_in_dim3A_462 = vector.broadcast %jit3A_461 : i32 to vector<16xi32>
      %select_n3A_463 = arith.select %and3A_460, %get3A_455, %broadcast_in_dim3A_462 : vector<16xi1>, vector<16xi32>
      %swap3A_464 = arith.constant 16 : index
      %swap3A_465 = tpu.vector_load %arg9[%swap3A_464] {strides = array<i32>} : memref<128xi32, #tpu.memory_space<vmem>>, vector<16xi32>,
      %swap3A_466 = vector.shape_cast %swap3A_465 : vector<16xi32> to vector<16xi32>
      %swap3A_467 = vector.shape_cast %select_n3A_463 : vector<16xi32> to vector<16xi32>
      tpu.vector_store %arg9[%swap3A_464], %swap3A_467 {strides = array<i32>} : memref<128xi32, #tpu.memory_space<vmem>>, vector<16xi32>,
      %add3A_468 = arith.constant 32 : i32
      %add3A_469 = arith.addi %min3A_417, %add3A_468 : i32
      %iota3A_470 = tpu.iota {dimensions = array<i32: 0>} : vector<16xi32>
      %add3A_471 = vector.broadcast %add3A_469 : i32 to vector<16xi32>
      %add3A_472 = arith.addi %add3A_471, %iota3A_470 : vector<16xi32>
      %get3A_473 = arith.constant 32 : index
      %get3A_474 = tpu.vector_load %arg9[%get3A_473] {strides = array<i32>} : memref<128xi32, #tpu.memory_space<vmem>>, vector<16xi32>,
      %get3A_475 = vector.shape_cast %get3A_474 : vector<16xi32> to vector<16xi32>
      %ge3A_476 = vector.broadcast %add3A_415 : i32 to vector<16xi32>
      %ge3A_477 = arith.cmpi sge, %add3A_472, %ge3A_476 : vector<16xi32>
      %lt3A_478 = vector.broadcast %min3A_20 : i32 to vector<16xi32>
      %lt3A_479 = arith.cmpi slt, %add3A_472, %lt3A_478 : vector<16xi32>
      %and3A_480 = arith.andi %ge3A_477, %lt3A_479 : vector<16xi1>
      %jit3A_481 = arith.constant 1024 : i32
      %broadcast_in_dim3A_482 = vector.broadcast %jit3A_481 : i32 to vector<16xi32>
      %select_n3A_483 = arith.select %and3A_480, %get3A_475, %broadcast_in_dim3A_482 : vector<16xi1>, vector<16xi32>
      %swap3A_484 = arith.constant 32 : index
      %swap3A_485 = tpu.vector_load %arg9[%swap3A_484] {strides = array<i32>} : memref<128xi32, #tpu.memory_space<vmem>>, vector<16xi32>,
      %swap3A_486 = vector.shape_cast %swap3A_485 : vector<16xi32> to vector<16xi32>
      %swap3A_487 = vector.shape_cast %select_n3A_483 : vector<16xi32> to vector<16xi32>
      tpu.vector_store %arg9[%swap3A_484], %swap3A_487 {strides = array<i32>} : memref<128xi32, #tpu.memory_space<vmem>>, vector<16xi32>,
      %add3A_488 = arith.constant 48 : i32
      %add3A_489 = arith.addi %min3A_417, %add3A_488 : i32
      %iota3A_490 = tpu.iota {dimensions = array<i32: 0>} : vector<16xi32>
      %add3A_491 = vector.broadcast %add3A_489 : i32 to vector<16xi32>
      %add3A_492 = arith.addi %add3A_491, %iota3A_490 : vector<16xi32>
      %get3A_493 = arith.constant 48 : index
      %get3A_494 = tpu.vector_load %arg9[%get3A_493] {strides = array<i32>} : memref<128xi32, #tpu.memory_space<vmem>>, vector<16xi32>,
      %get3A_495 = vector.shape_cast %get3A_494 : vector<16xi32> to vector<16xi32>
      %ge3A_496 = vector.broadcast %add3A_415 : i32 to vector<16xi32>
      %ge3A_497 = arith.cmpi sge, %add3A_492, %ge3A_496 : vector<16xi32>
      %lt3A_498 = vector.broadcast %min3A_20 : i32 to vector<16xi32>
      %lt3A_499 = arith.cmpi slt, %add3A_492, %lt3A_498 : vector<16xi32>
      %and3A_500 = arith.andi %ge3A_497, %lt3A_499 : vector<16xi1>
      %jit3A_501 = arith.constant 1024 : i32
      %broadcast_in_dim3A_502 = vector.broadcast %jit3A_501 : i32 to vector<16xi32>
      %select_n3A_503 = arith.select %and3A_500, %get3A_495, %broadcast_in_dim3A_502 : vector<16xi1>, vector<16xi32>
      %swap3A_504 = arith.constant 48 : index
      %swap3A_505 = tpu.vector_load %arg9[%swap3A_504] {strides = array<i32>} : memref<128xi32, #tpu.memory_space<vmem>>, vector<16xi32>,
      %swap3A_506 = vector.shape_cast %swap3A_505 : vector<16xi32> to vector<16xi32>
      %swap3A_507 = vector.shape_cast %select_n3A_503 : vector<16xi32> to vector<16xi32>
      tpu.vector_store %arg9[%swap3A_504], %swap3A_507 {strides = array<i32>} : memref<128xi32, #tpu.memory_space<vmem>>, vector<16xi32>,
      %add3A_508 = arith.constant 64 : i32
      %add3A_509 = arith.addi %min3A_417, %add3A_508 : i32
      %iota3A_510 = tpu.iota {dimensions = array<i32: 0>} : vector<16xi32>
      %add3A_511 = vector.broadcast %add3A_509 : i32 to vector<16xi32>
      %add3A_512 = arith.addi %add3A_511, %iota3A_510 : vector<16xi32>
      %get3A_513 = arith.constant 64 : index
      %get3A_514 = tpu.vector_load %arg9[%get3A_513] {strides = array<i32>} : memref<128xi32, #tpu.memory_space<vmem>>, vector<16xi32>,
      %get3A_515 = vector.shape_cast %get3A_514 : vector<16xi32> to vector<16xi32>
      %ge3A_516 = vector.broadcast %add3A_415 : i32 to vector<16xi32>
      %ge3A_517 = arith.cmpi sge, %add3A_512, %ge3A_516 : vector<16xi32>
      %lt3A_518 = vector.broadcast %min3A_20 : i32 to vector<16xi32>
      %lt3A_519 = arith.cmpi slt, %add3A_512, %lt3A_518 : vector<16xi32>
      %and3A_520 = arith.andi %ge3A_517, %lt3A_519 : vector<16xi1>
      %jit3A_521 = arith.constant 1024 : i32
      %broadcast_in_dim3A_522 = vector.broadcast %jit3A_521 : i32 to vector<16xi32>
      %select_n3A_523 = arith.select %and3A_520, %get3A_515, %broadcast_in_dim3A_522 : vector<16xi1>, vector<16xi32>
      %swap3A_524 = arith.constant 64 : index
      %swap3A_525 = tpu.vector_load %arg9[%swap3A_524] {strides = array<i32>} : memref<128xi32, #tpu.memory_space<vmem>>, vector<16xi32>,
      %swap3A_526 = vector.shape_cast %swap3A_525 : vector<16xi32> to vector<16xi32>
      %swap3A_527 = vector.shape_cast %select_n3A_523 : vector<16xi32> to vector<16xi32>
      tpu.vector_store %arg9[%swap3A_524], %swap3A_527 {strides = array<i32>} : memref<128xi32, #tpu.memory_space<vmem>>, vector<16xi32>,
      %add3A_528 = arith.constant 80 : i32
      %add3A_529 = arith.addi %min3A_417, %add3A_528 : i32
      %iota3A_530 = tpu.iota {dimensions = array<i32: 0>} : vector<16xi32>
      %add3A_531 = vector.broadcast %add3A_529 : i32 to vector<16xi32>
      %add3A_532 = arith.addi %add3A_531, %iota3A_530 : vector<16xi32>
      %get3A_533 = arith.constant 80 : index
      %get3A_534 = tpu.vector_load %arg9[%get3A_533] {strides = array<i32>} : memref<128xi32, #tpu.memory_space<vmem>>, vector<16xi32>,
      %get3A_535 = vector.shape_cast %get3A_534 : vector<16xi32> to vector<16xi32>
      %ge3A_536 = vector.broadcast %add3A_415 : i32 to vector<16xi32>
      %ge3A_537 = arith.cmpi sge, %add3A_532, %ge3A_536 : vector<16xi32>
      %lt3A_538 = vector.broadcast %min3A_20 : i32 to vector<16xi32>
      %lt3A_539 = arith.cmpi slt, %add3A_532, %lt3A_538 : vector<16xi32>
      %and3A_540 = arith.andi %ge3A_537, %lt3A_539 : vector<16xi1>
      %jit3A_541 = arith.constant 1024 : i32
      %broadcast_in_dim3A_542 = vector.broadcast %jit3A_541 : i32 to vector<16xi32>
      %select_n3A_543 = arith.select %and3A_540, %get3A_535, %broadcast_in_dim3A_542 : vector<16xi1>, vector<16xi32>
      %swap3A_544 = arith.constant 80 : index
      %swap3A_545 = tpu.vector_load %arg9[%swap3A_544] {strides = array<i32>} : memref<128xi32, #tpu.memory_space<vmem>>, vector<16xi32>,
      %swap3A_546 = vector.shape_cast %swap3A_545 : vector<16xi32> to vector<16xi32>
      %swap3A_547 = vector.shape_cast %select_n3A_543 : vector<16xi32> to vector<16xi32>
      tpu.vector_store %arg9[%swap3A_544], %swap3A_547 {strides = array<i32>} : memref<128xi32, #tpu.memory_space<vmem>>, vector<16xi32>,
      %add3A_548 = arith.constant 96 : i32
      %add3A_549 = arith.addi %min3A_417, %add3A_548 : i32
      %iota3A_550 = tpu.iota {dimensions = array<i32: 0>} : vector<16xi32>
      %add3A_551 = vector.broadcast %add3A_549 : i32 to vector<16xi32>
      %add3A_552 = arith.addi %add3A_551, %iota3A_550 : vector<16xi32>
      %get3A_553 = arith.constant 96 : index
      %get3A_554 = tpu.vector_load %arg9[%get3A_553] {strides = array<i32>} : memref<128xi32, #tpu.memory_space<vmem>>, vector<16xi32>,
      %get3A_555 = vector.shape_cast %get3A_554 : vector<16xi32> to vector<16xi32>
      %ge3A_556 = vector.broadcast %add3A_415 : i32 to vector<16xi32>
      %ge3A_557 = arith.cmpi sge, %add3A_552, %ge3A_556 : vector<16xi32>
      %lt3A_558 = vector.broadcast %min3A_20 : i32 to vector<16xi32>
      %lt3A_559 = arith.cmpi slt, %add3A_552, %lt3A_558 : vector<16xi32>
      %and3A_560 = arith.andi %ge3A_557, %lt3A_559 : vector<16xi1>
      %jit3A_561 = arith.constant 1024 : i32
      %broadcast_in_dim3A_562 = vector.broadcast %jit3A_561 : i32 to vector<16xi32>
      %select_n3A_563 = arith.select %and3A_560, %get3A_555, %broadcast_in_dim3A_562 : vector<16xi1>, vector<16xi32>
      %swap3A_564 = arith.constant 96 : index
      %swap3A_565 = tpu.vector_load %arg9[%swap3A_564] {strides = array<i32>} : memref<128xi32, #tpu.memory_space<vmem>>, vector<16xi32>,
      %swap3A_566 = vector.shape_cast %swap3A_565 : vector<16xi32> to vector<16xi32>
      %swap3A_567 = vector.shape_cast %select_n3A_563 : vector<16xi32> to vector<16xi32>
      tpu.vector_store %arg9[%swap3A_564], %swap3A_567 {strides = array<i32>} : memref<128xi32, #tpu.memory_space<vmem>>, vector<16xi32>,
      %add3A_568 = arith.constant 112 : i32
      %add3A_569 = arith.addi %min3A_417, %add3A_568 : i32
      %iota3A_570 = tpu.iota {dimensions = array<i32: 0>} : vector<16xi32>
      %add3A_571 = vector.broadcast %add3A_569 : i32 to vector<16xi32>
      %add3A_572 = arith.addi %add3A_571, %iota3A_570 : vector<16xi32>
      %get3A_573 = arith.constant 112 : index
      %get3A_574 = tpu.vector_load %arg9[%get3A_573] {strides = array<i32>} : memref<128xi32, #tpu.memory_space<vmem>>, vector<16xi32>,
      %get3A_575 = vector.shape_cast %get3A_574 : vector<16xi32> to vector<16xi32>
      %ge3A_576 = vector.broadcast %add3A_415 : i32 to vector<16xi32>
      %ge3A_577 = arith.cmpi sge, %add3A_572, %ge3A_576 : vector<16xi32>
      %lt3A_578 = vector.broadcast %min3A_20 : i32 to vector<16xi32>
      %lt3A_579 = arith.cmpi slt, %add3A_572, %lt3A_578 : vector<16xi32>
      %and3A_580 = arith.andi %ge3A_577, %lt3A_579 : vector<16xi1>
      %jit3A_581 = arith.constant 1024 : i32
      %broadcast_in_dim3A_582 = vector.broadcast %jit3A_581 : i32 to vector<16xi32>
      %select_n3A_583 = arith.select %and3A_580, %get3A_575, %broadcast_in_dim3A_582 : vector<16xi1>, vector<16xi32>
      %swap3A_584 = arith.constant 112 : index
      %swap3A_585 = tpu.vector_load %arg9[%swap3A_584] {strides = array<i32>} : memref<128xi32, #tpu.memory_space<vmem>>, vector<16xi32>,
      %swap3A_586 = vector.shape_cast %swap3A_585 : vector<16xi32> to vector<16xi32>
      %swap3A_587 = vector.shape_cast %select_n3A_583 : vector<16xi32> to vector<16xi32>
      tpu.vector_store %arg9[%swap3A_584], %swap3A_587 {strides = array<i32>} : memref<128xi32, #tpu.memory_space<vmem>>, vector<16xi32>,
      "tpu.region"() ({
        %run_scoped3A = tpu.sem_alloc : memref<!tpu.dma_semaphore, #tpu.memory_space<semaphore_mem>>
        %dma_start3A_589 = arith.constant 0 : i32
        %dma_start3A_590 = arith.constant 0 : i32
        %dma_start3A_591 = tpu.memref_slice %arg13[%dma_start3A_589, %dma_start3A_590] : memref<1040x128xf32, #tpu.memory_space<vmem_shared>> -> memref<1040x128xf32, #tpu.memory_space<vmem_shared>>
        tpu.enqueue_indirect_dma source(%arg7 : memref<128x128xf32, #tpu.memory_space<vmem>>) target(%dma_start3A_591 : memref<1040x128xf32, #tpu.memory_space<vmem_shared>>) offsets(%arg9 : memref<128xi32, #tpu.memory_space<vmem>>) semaphore(%run_scoped3A : memref<!tpu.dma_semaphore, #tpu.memory_space<semaphore_mem>>) {add = true}
        %dma_wait3A_592 = arith.constant 0 : i32
        %dma_wait3A_593 = arith.constant 0 : i32
        %dma_wait3A_594 = tpu.memref_slice %arg13[%dma_wait3A_592, %dma_wait3A_593] : memref<1040x128xf32, #tpu.memory_space<vmem_shared>> -> memref<1040x128xf32, #tpu.memory_space<vmem_shared>>
        tpu.wait_indirect_dma semaphore(%run_scoped3A : memref<!tpu.dma_semaphore, #tpu.memory_space<semaphore_mem>>) src(%arg7 : memref<128x128xf32, #tpu.memory_space<vmem>>) dst(%dma_wait3A_594 : memref<1040x128xf32, #tpu.memory_space<vmem_shared>>)
        tpu.yield
      }) : () -> ()
      "tpu.region"() ({
        %run_scoped3A = tpu.sem_alloc : memref<!tpu.dma_semaphore, #tpu.memory_space<semaphore_mem>>
        %dma_start3A_589 = arith.constant 0 : i32
        %dma_start3A_590 = arith.constant 0 : i32
        %dma_start3A_591 = tpu.memref_slice %arg14[%dma_start3A_589, %dma_start3A_590] : memref<1040x128xf32, #tpu.memory_space<vmem_shared>> -> memref<1040x128xf32, #tpu.memory_space<vmem_shared>>
        tpu.enqueue_indirect_dma source(%arg10 : memref<128x128xf32, #tpu.memory_space<vmem>>) target(%dma_start3A_591 : memref<1040x128xf32, #tpu.memory_space<vmem_shared>>) offsets(%arg9 : memref<128xi32, #tpu.memory_space<vmem>>) semaphore(%run_scoped3A : memref<!tpu.dma_semaphore, #tpu.memory_space<semaphore_mem>>) {add = true}
        %dma_wait3A_592 = arith.constant 0 : i32
        %dma_wait3A_593 = arith.constant 0 : i32
        %dma_wait3A_594 = tpu.memref_slice %arg14[%dma_wait3A_592, %dma_wait3A_593] : memref<1040x128xf32, #tpu.memory_space<vmem_shared>> -> memref<1040x128xf32, #tpu.memory_space<vmem_shared>>
        tpu.wait_indirect_dma semaphore(%run_scoped3A : memref<!tpu.dma_semaphore, #tpu.memory_space<semaphore_mem>>) src(%arg10 : memref<128x128xf32, #tpu.memory_space<vmem>>) dst(%dma_wait3A_594 : memref<1040x128xf32, #tpu.memory_space<vmem_shared>>)
        tpu.yield
      }) : () -> ()
      %scan3A_588 = arith.constant 0 : i32
      scf.yield %scan3A_588 : i32
    }
    %scan3A_36 = arith.constant 12 : i32
    %add3A_37 = arith.constant 3072 : i32
    %add3A_38 = arith.addi %mul3A_17, %add3A_37 : i32
    %min3A_39 = arith.constant 99872 : i32
    %min3A_40 = arith.minsi %add3A_38, %min3A_39 : i32
    %dma_wait3A = arith.constant 0 : i32
    %dma_wait3A_41 = tpu.memref_slice %arg3[%dma_wait3A] : memref<100000xi32, #tpu.memory_space<hbm>> -> memref<128xi32, #tpu.memory_space<hbm>>
    %dma_wait3A_42 = arith.constant 0 : i32
    %dma_wait3A_43 = tpu.memref_slice %arg3[%dma_wait3A_42] : memref<100000xi32, #tpu.memory_space<hbm>> -> memref<128xi32, #tpu.memory_space<hbm>>
    tpu.wait_dma2 semaphore(%arg15 : memref<!tpu.dma_semaphore, #tpu.memory_space<semaphore_mem>>) src(%dma_wait3A_43 : memref<128xi32, #tpu.memory_space<hbm>>) dst(%arg8 : memref<128xi32, #tpu.memory_space<vmem>>)
    %dma_wait3A_44 = arith.constant 0 : i32
    %dma_wait3A_45 = arith.constant 0 : i32
    %dma_wait3A_46 = tpu.memref_slice %arg2[%dma_wait3A_44, %dma_wait3A_45] : memref<100000x128xf32, #tpu.memory_space<hbm>> -> memref<128x128xf32, #tpu.memory_space<hbm>>
    %dma_wait3A_47 = arith.constant 0 : i32
    %dma_wait3A_48 = arith.constant 0 : i32
    %dma_wait3A_49 = tpu.memref_slice %arg2[%dma_wait3A_47, %dma_wait3A_48] : memref<100000x128xf32, #tpu.memory_space<hbm>> -> memref<128x128xf32, #tpu.memory_space<hbm>>
    tpu.wait_dma2 semaphore(%arg15 : memref<!tpu.dma_semaphore, #tpu.memory_space<semaphore_mem>>) src(%dma_wait3A_49 : memref<128x128xf32, #tpu.memory_space<hbm>>) dst(%arg6 : memref<128x128xf32, #tpu.memory_space<vmem>>)
    %add3A_50 = arith.constant 0 : i32
    %add3A_51 = arith.addi %min3A_40, %add3A_50 : i32
    %iota3A = tpu.iota {dimensions = array<i32: 0>} : vector<16xi32>
    %add3A_52 = vector.broadcast %add3A_51 : i32 to vector<16xi32>
    %add3A_53 = arith.addi %add3A_52, %iota3A : vector<16xi32>
    %get3A = arith.constant 0 : index
    %get3A_54 = tpu.vector_load %arg8[%get3A] {strides = array<i32>} : memref<128xi32, #tpu.memory_space<vmem>>, vector<16xi32>,
    %get3A_55 = vector.shape_cast %get3A_54 : vector<16xi32> to vector<16xi32>
    %ge3A = vector.broadcast %add3A_38 : i32 to vector<16xi32>
    %ge3A_56 = arith.cmpi sge, %add3A_53, %ge3A : vector<16xi32>
    %lt3A = vector.broadcast %min3A_20 : i32 to vector<16xi32>
    %lt3A_57 = arith.cmpi slt, %add3A_53, %lt3A : vector<16xi32>
    %and3A = arith.andi %ge3A_56, %lt3A_57 : vector<16xi1>
    %jit3A = arith.constant 1024 : i32
    %broadcast_in_dim3A = vector.broadcast %jit3A : i32 to vector<16xi32>
    %select_n3A = arith.select %and3A, %get3A_55, %broadcast_in_dim3A : vector<16xi1>, vector<16xi32>
    %swap3A = arith.constant 0 : index
    %swap3A_58 = tpu.vector_load %arg8[%swap3A] {strides = array<i32>} : memref<128xi32, #tpu.memory_space<vmem>>, vector<16xi32>,
    %swap3A_59 = vector.shape_cast %swap3A_58 : vector<16xi32> to vector<16xi32>
    %swap3A_60 = vector.shape_cast %select_n3A : vector<16xi32> to vector<16xi32>
    tpu.vector_store %arg8[%swap3A], %swap3A_60 {strides = array<i32>} : memref<128xi32, #tpu.memory_space<vmem>>, vector<16xi32>,
    %add3A_61 = arith.constant 16 : i32
    %add3A_62 = arith.addi %min3A_40, %add3A_61 : i32
    %iota3A_63 = tpu.iota {dimensions = array<i32: 0>} : vector<16xi32>
    %add3A_64 = vector.broadcast %add3A_62 : i32 to vector<16xi32>
    %add3A_65 = arith.addi %add3A_64, %iota3A_63 : vector<16xi32>
    %get3A_66 = arith.constant 16 : index
    %get3A_67 = tpu.vector_load %arg8[%get3A_66] {strides = array<i32>} : memref<128xi32, #tpu.memory_space<vmem>>, vector<16xi32>,
    %get3A_68 = vector.shape_cast %get3A_67 : vector<16xi32> to vector<16xi32>
    %ge3A_69 = vector.broadcast %add3A_38 : i32 to vector<16xi32>
    %ge3A_70 = arith.cmpi sge, %add3A_65, %ge3A_69 : vector<16xi32>
    %lt3A_71 = vector.broadcast %min3A_20 : i32 to vector<16xi32>
    %lt3A_72 = arith.cmpi slt, %add3A_65, %lt3A_71 : vector<16xi32>
    %and3A_73 = arith.andi %ge3A_70, %lt3A_72 : vector<16xi1>
    %jit3A_74 = arith.constant 1024 : i32
    %broadcast_in_dim3A_75 = vector.broadcast %jit3A_74 : i32 to vector<16xi32>
    %select_n3A_76 = arith.select %and3A_73, %get3A_68, %broadcast_in_dim3A_75 : vector<16xi1>, vector<16xi32>
    %swap3A_77 = arith.constant 16 : index
    %swap3A_78 = tpu.vector_load %arg8[%swap3A_77] {strides = array<i32>} : memref<128xi32, #tpu.memory_space<vmem>>, vector<16xi32>,
    %swap3A_79 = vector.shape_cast %swap3A_78 : vector<16xi32> to vector<16xi32>
    %swap3A_80 = vector.shape_cast %select_n3A_76 : vector<16xi32> to vector<16xi32>
    tpu.vector_store %arg8[%swap3A_77], %swap3A_80 {strides = array<i32>} : memref<128xi32, #tpu.memory_space<vmem>>, vector<16xi32>,
    %add3A_81 = arith.constant 32 : i32
    %add3A_82 = arith.addi %min3A_40, %add3A_81 : i32
    %iota3A_83 = tpu.iota {dimensions = array<i32: 0>} : vector<16xi32>
    %add3A_84 = vector.broadcast %add3A_82 : i32 to vector<16xi32>
    %add3A_85 = arith.addi %add3A_84, %iota3A_83 : vector<16xi32>
    %get3A_86 = arith.constant 32 : index
    %get3A_87 = tpu.vector_load %arg8[%get3A_86] {strides = array<i32>} : memref<128xi32, #tpu.memory_space<vmem>>, vector<16xi32>,
    %get3A_88 = vector.shape_cast %get3A_87 : vector<16xi32> to vector<16xi32>
    %ge3A_89 = vector.broadcast %add3A_38 : i32 to vector<16xi32>
    %ge3A_90 = arith.cmpi sge, %add3A_85, %ge3A_89 : vector<16xi32>
    %lt3A_91 = vector.broadcast %min3A_20 : i32 to vector<16xi32>
    %lt3A_92 = arith.cmpi slt, %add3A_85, %lt3A_91 : vector<16xi32>
    %and3A_93 = arith.andi %ge3A_90, %lt3A_92 : vector<16xi1>
    %jit3A_94 = arith.constant 1024 : i32
    %broadcast_in_dim3A_95 = vector.broadcast %jit3A_94 : i32 to vector<16xi32>
    %select_n3A_96 = arith.select %and3A_93, %get3A_88, %broadcast_in_dim3A_95 : vector<16xi1>, vector<16xi32>
    %swap3A_97 = arith.constant 32 : index
    %swap3A_98 = tpu.vector_load %arg8[%swap3A_97] {strides = array<i32>} : memref<128xi32, #tpu.memory_space<vmem>>, vector<16xi32>,
    %swap3A_99 = vector.shape_cast %swap3A_98 : vector<16xi32> to vector<16xi32>
    %swap3A_100 = vector.shape_cast %select_n3A_96 : vector<16xi32> to vector<16xi32>
    tpu.vector_store %arg8[%swap3A_97], %swap3A_100 {strides = array<i32>} : memref<128xi32, #tpu.memory_space<vmem>>, vector<16xi32>,
    %add3A_101 = arith.constant 48 : i32
    %add3A_102 = arith.addi %min3A_40, %add3A_101 : i32
    %iota3A_103 = tpu.iota {dimensions = array<i32: 0>} : vector<16xi32>
    %add3A_104 = vector.broadcast %add3A_102 : i32 to vector<16xi32>
    %add3A_105 = arith.addi %add3A_104, %iota3A_103 : vector<16xi32>
    %get3A_106 = arith.constant 48 : index
    %get3A_107 = tpu.vector_load %arg8[%get3A_106] {strides = array<i32>} : memref<128xi32, #tpu.memory_space<vmem>>, vector<16xi32>,
    %get3A_108 = vector.shape_cast %get3A_107 : vector<16xi32> to vector<16xi32>
    %ge3A_109 = vector.broadcast %add3A_38 : i32 to vector<16xi32>
    %ge3A_110 = arith.cmpi sge, %add3A_105, %ge3A_109 : vector<16xi32>
    %lt3A_111 = vector.broadcast %min3A_20 : i32 to vector<16xi32>
    %lt3A_112 = arith.cmpi slt, %add3A_105, %lt3A_111 : vector<16xi32>
    %and3A_113 = arith.andi %ge3A_110, %lt3A_112 : vector<16xi1>
    %jit3A_114 = arith.constant 1024 : i32
    %broadcast_in_dim3A_115 = vector.broadcast %jit3A_114 : i32 to vector<16xi32>
    %select_n3A_116 = arith.select %and3A_113, %get3A_108, %broadcast_in_dim3A_115 : vector<16xi1>, vector<16xi32>
    %swap3A_117 = arith.constant 48 : index
    %swap3A_118 = tpu.vector_load %arg8[%swap3A_117] {strides = array<i32>} : memref<128xi32, #tpu.memory_space<vmem>>, vector<16xi32>,
    %swap3A_119 = vector.shape_cast %swap3A_118 : vector<16xi32> to vector<16xi32>
    %swap3A_120 = vector.shape_cast %select_n3A_116 : vector<16xi32> to vector<16xi32>
    tpu.vector_store %arg8[%swap3A_117], %swap3A_120 {strides = array<i32>} : memref<128xi32, #tpu.memory_space<vmem>>, vector<16xi32>,
    %add3A_121 = arith.constant 64 : i32
    %add3A_122 = arith.addi %min3A_40, %add3A_121 : i32
    %iota3A_123 = tpu.iota {dimensions = array<i32: 0>} : vector<16xi32>
    %add3A_124 = vector.broadcast %add3A_122 : i32 to vector<16xi32>
    %add3A_125 = arith.addi %add3A_124, %iota3A_123 : vector<16xi32>
    %get3A_126 = arith.constant 64 : index
    %get3A_127 = tpu.vector_load %arg8[%get3A_126] {strides = array<i32>} : memref<128xi32, #tpu.memory_space<vmem>>, vector<16xi32>,
    %get3A_128 = vector.shape_cast %get3A_127 : vector<16xi32> to vector<16xi32>
    %ge3A_129 = vector.broadcast %add3A_38 : i32 to vector<16xi32>
    %ge3A_130 = arith.cmpi sge, %add3A_125, %ge3A_129 : vector<16xi32>
    %lt3A_131 = vector.broadcast %min3A_20 : i32 to vector<16xi32>
    %lt3A_132 = arith.cmpi slt, %add3A_125, %lt3A_131 : vector<16xi32>
    %and3A_133 = arith.andi %ge3A_130, %lt3A_132 : vector<16xi1>
    %jit3A_134 = arith.constant 1024 : i32
    %broadcast_in_dim3A_135 = vector.broadcast %jit3A_134 : i32 to vector<16xi32>
    %select_n3A_136 = arith.select %and3A_133, %get3A_128, %broadcast_in_dim3A_135 : vector<16xi1>, vector<16xi32>
    %swap3A_137 = arith.constant 64 : index
    %swap3A_138 = tpu.vector_load %arg8[%swap3A_137] {strides = array<i32>} : memref<128xi32, #tpu.memory_space<vmem>>, vector<16xi32>,
    %swap3A_139 = vector.shape_cast %swap3A_138 : vector<16xi32> to vector<16xi32>
    %swap3A_140 = vector.shape_cast %select_n3A_136 : vector<16xi32> to vector<16xi32>
    tpu.vector_store %arg8[%swap3A_137], %swap3A_140 {strides = array<i32>} : memref<128xi32, #tpu.memory_space<vmem>>, vector<16xi32>,
    %add3A_141 = arith.constant 80 : i32
    %add3A_142 = arith.addi %min3A_40, %add3A_141 : i32
    %iota3A_143 = tpu.iota {dimensions = array<i32: 0>} : vector<16xi32>
    %add3A_144 = vector.broadcast %add3A_142 : i32 to vector<16xi32>
    %add3A_145 = arith.addi %add3A_144, %iota3A_143 : vector<16xi32>
    %get3A_146 = arith.constant 80 : index
    %get3A_147 = tpu.vector_load %arg8[%get3A_146] {strides = array<i32>} : memref<128xi32, #tpu.memory_space<vmem>>, vector<16xi32>,
    %get3A_148 = vector.shape_cast %get3A_147 : vector<16xi32> to vector<16xi32>
    %ge3A_149 = vector.broadcast %add3A_38 : i32 to vector<16xi32>
    %ge3A_150 = arith.cmpi sge, %add3A_145, %ge3A_149 : vector<16xi32>
    %lt3A_151 = vector.broadcast %min3A_20 : i32 to vector<16xi32>
    %lt3A_152 = arith.cmpi slt, %add3A_145, %lt3A_151 : vector<16xi32>
    %and3A_153 = arith.andi %ge3A_150, %lt3A_152 : vector<16xi1>
    %jit3A_154 = arith.constant 1024 : i32
    %broadcast_in_dim3A_155 = vector.broadcast %jit3A_154 : i32 to vector<16xi32>
    %select_n3A_156 = arith.select %and3A_153, %get3A_148, %broadcast_in_dim3A_155 : vector<16xi1>, vector<16xi32>
    %swap3A_157 = arith.constant 80 : index
    %swap3A_158 = tpu.vector_load %arg8[%swap3A_157] {strides = array<i32>} : memref<128xi32, #tpu.memory_space<vmem>>, vector<16xi32>,
    %swap3A_159 = vector.shape_cast %swap3A_158 : vector<16xi32> to vector<16xi32>
    %swap3A_160 = vector.shape_cast %select_n3A_156 : vector<16xi32> to vector<16xi32>
    tpu.vector_store %arg8[%swap3A_157], %swap3A_160 {strides = array<i32>} : memref<128xi32, #tpu.memory_space<vmem>>, vector<16xi32>,
    %add3A_161 = arith.constant 96 : i32
    %add3A_162 = arith.addi %min3A_40, %add3A_161 : i32
    %iota3A_163 = tpu.iota {dimensions = array<i32: 0>} : vector<16xi32>
    %add3A_164 = vector.broadcast %add3A_162 : i32 to vector<16xi32>
    %add3A_165 = arith.addi %add3A_164, %iota3A_163 : vector<16xi32>
    %get3A_166 = arith.constant 96 : index
    %get3A_167 = tpu.vector_load %arg8[%get3A_166] {strides = array<i32>} : memref<128xi32, #tpu.memory_space<vmem>>, vector<16xi32>,
    %get3A_168 = vector.shape_cast %get3A_167 : vector<16xi32> to vector<16xi32>
    %ge3A_169 = vector.broadcast %add3A_38 : i32 to vector<16xi32>
    %ge3A_170 = arith.cmpi sge, %add3A_165, %ge3A_169 : vector<16xi32>
    %lt3A_171 = vector.broadcast %min3A_20 : i32 to vector<16xi32>
    %lt3A_172 = arith.cmpi slt, %add3A_165, %lt3A_171 : vector<16xi32>
    %and3A_173 = arith.andi %ge3A_170, %lt3A_172 : vector<16xi1>
    %jit3A_174 = arith.constant 1024 : i32
    %broadcast_in_dim3A_175 = vector.broadcast %jit3A_174 : i32 to vector<16xi32>
    %select_n3A_176 = arith.select %and3A_173, %get3A_168, %broadcast_in_dim3A_175 : vector<16xi1>, vector<16xi32>
    %swap3A_177 = arith.constant 96 : index
    %swap3A_178 = tpu.vector_load %arg8[%swap3A_177] {strides = array<i32>} : memref<128xi32, #tpu.memory_space<vmem>>, vector<16xi32>,
    %swap3A_179 = vector.shape_cast %swap3A_178 : vector<16xi32> to vector<16xi32>
    %swap3A_180 = vector.shape_cast %select_n3A_176 : vector<16xi32> to vector<16xi32>
    tpu.vector_store %arg8[%swap3A_177], %swap3A_180 {strides = array<i32>} : memref<128xi32, #tpu.memory_space<vmem>>, vector<16xi32>,
    %add3A_181 = arith.constant 112 : i32
    %add3A_182 = arith.addi %min3A_40, %add3A_181 : i32
    %iota3A_183 = tpu.iota {dimensions = array<i32: 0>} : vector<16xi32>
    %add3A_184 = vector.broadcast %add3A_182 : i32 to vector<16xi32>
    %add3A_185 = arith.addi %add3A_184, %iota3A_183 : vector<16xi32>
    %get3A_186 = arith.constant 112 : index
    %get3A_187 = tpu.vector_load %arg8[%get3A_186] {strides = array<i32>} : memref<128xi32, #tpu.memory_space<vmem>>, vector<16xi32>,
    %get3A_188 = vector.shape_cast %get3A_187 : vector<16xi32> to vector<16xi32>
    %ge3A_189 = vector.broadcast %add3A_38 : i32 to vector<16xi32>
    %ge3A_190 = arith.cmpi sge, %add3A_185, %ge3A_189 : vector<16xi32>
    %lt3A_191 = vector.broadcast %min3A_20 : i32 to vector<16xi32>
    %lt3A_192 = arith.cmpi slt, %add3A_185, %lt3A_191 : vector<16xi32>
    %and3A_193 = arith.andi %ge3A_190, %lt3A_192 : vector<16xi1>
    %jit3A_194 = arith.constant 1024 : i32
    %broadcast_in_dim3A_195 = vector.broadcast %jit3A_194 : i32 to vector<16xi32>
    %select_n3A_196 = arith.select %and3A_193, %get3A_188, %broadcast_in_dim3A_195 : vector<16xi1>, vector<16xi32>
    %swap3A_197 = arith.constant 112 : index
    %swap3A_198 = tpu.vector_load %arg8[%swap3A_197] {strides = array<i32>} : memref<128xi32, #tpu.memory_space<vmem>>, vector<16xi32>,
    %swap3A_199 = vector.shape_cast %swap3A_198 : vector<16xi32> to vector<16xi32>
    %swap3A_200 = vector.shape_cast %select_n3A_196 : vector<16xi32> to vector<16xi32>
    tpu.vector_store %arg8[%swap3A_197], %swap3A_200 {strides = array<i32>} : memref<128xi32, #tpu.memory_space<vmem>>, vector<16xi32>,
    "tpu.region"() ({
      %run_scoped3A = tpu.sem_alloc : memref<!tpu.dma_semaphore, #tpu.memory_space<semaphore_mem>>
      %dma_start3A_202 = arith.constant 0 : i32
      %dma_start3A_203 = arith.constant 0 : i32
      %dma_start3A_204 = tpu.memref_slice %arg13[%dma_start3A_202, %dma_start3A_203] : memref<1040x128xf32, #tpu.memory_space<vmem_shared>> -> memref<1040x128xf32, #tpu.memory_space<vmem_shared>>
      tpu.enqueue_indirect_dma source(%arg6 : memref<128x128xf32, #tpu.memory_space<vmem>>) target(%dma_start3A_204 : memref<1040x128xf32, #tpu.memory_space<vmem_shared>>) offsets(%arg8 : memref<128xi32, #tpu.memory_space<vmem>>) semaphore(%run_scoped3A : memref<!tpu.dma_semaphore, #tpu.memory_space<semaphore_mem>>) {add = true}
      %dma_wait3A_205 = arith.constant 0 : i32
      %dma_wait3A_206 = arith.constant 0 : i32
      %dma_wait3A_207 = tpu.memref_slice %arg13[%dma_wait3A_205, %dma_wait3A_206] : memref<1040x128xf32, #tpu.memory_space<vmem_shared>> -> memref<1040x128xf32, #tpu.memory_space<vmem_shared>>
      tpu.wait_indirect_dma semaphore(%run_scoped3A : memref<!tpu.dma_semaphore, #tpu.memory_space<semaphore_mem>>) src(%arg6 : memref<128x128xf32, #tpu.memory_space<vmem>>) dst(%dma_wait3A_207 : memref<1040x128xf32, #tpu.memory_space<vmem_shared>>)
      tpu.yield
    }) : () -> ()
    "tpu.region"() ({
      %run_scoped3A = tpu.sem_alloc : memref<!tpu.dma_semaphore, #tpu.memory_space<semaphore_mem>>
      %dma_start3A_202 = arith.constant 0 : i32
      %dma_start3A_203 = arith.constant 0 : i32
      %dma_start3A_204 = tpu.memref_slice %arg14[%dma_start3A_202, %dma_start3A_203] : memref<1040x128xf32, #tpu.memory_space<vmem_shared>> -> memref<1040x128xf32, #tpu.memory_space<vmem_shared>>
      tpu.enqueue_indirect_dma source(%arg10 : memref<128x128xf32, #tpu.memory_space<vmem>>) target(%dma_start3A_204 : memref<1040x128xf32, #tpu.memory_space<vmem_shared>>) offsets(%arg8 : memref<128xi32, #tpu.memory_space<vmem>>) semaphore(%run_scoped3A : memref<!tpu.dma_semaphore, #tpu.memory_space<semaphore_mem>>) {add = true}
      %dma_wait3A_205 = arith.constant 0 : i32
      %dma_wait3A_206 = arith.constant 0 : i32
      %dma_wait3A_207 = tpu.memref_slice %arg14[%dma_wait3A_205, %dma_wait3A_206] : memref<1040x128xf32, #tpu.memory_space<vmem_shared>> -> memref<1040x128xf32, #tpu.memory_space<vmem_shared>>
      tpu.wait_indirect_dma semaphore(%run_scoped3A : memref<!tpu.dma_semaphore, #tpu.memory_space<semaphore_mem>>) src(%arg10 : memref<128x128xf32, #tpu.memory_space<vmem>>) dst(%dma_wait3A_207 : memref<1040x128xf32, #tpu.memory_space<vmem_shared>>)
      tpu.yield
    }) : () -> ()
    %barrier3A_201 = arith.constant 0 : index
    tpu.barrier barrier_id(%barrier3A_201)
    "tpu.region"() ({
      %run_scoped3A = tpu.sem_alloc : memref<!tpu.dma_semaphore, #tpu.memory_space<semaphore_mem>>
      %dma_start3A_202 = arith.constant 0 : i32
      %dma_start3A_203 = tpu.memref_slice %arg4[%arg0, %mul3A_15, %dma_start3A_202] : memref<2x1024x128xf32, #tpu.memory_space<hbm>> -> memref<1x64x128xf32, #tpu.memory_space<hbm>>
      %dma_start3A_204 = tpu.memref_squeeze %dma_start3A_203 : memref<1x64x128xf32, #tpu.memory_space<hbm>> -> memref<64x128xf32, #tpu.memory_space<hbm>>
      %dma_start3A_205 = arith.constant 0 : i32
      %dma_start3A_206 = tpu.memref_slice %arg13[%mul3A_15, %dma_start3A_205] : memref<1040x128xf32, #tpu.memory_space<vmem_shared>> -> memref<64x128xf32, #tpu.memory_space<vmem_shared>>
      tpu.enqueue_dma source(%dma_start3A_206 : memref<64x128xf32, #tpu.memory_space<vmem_shared>>) target(%dma_start3A_204 : memref<64x128xf32, #tpu.memory_space<hbm>>) target_semaphore(%run_scoped3A : memref<!tpu.dma_semaphore, #tpu.memory_space<semaphore_mem>>)
      %dma_wait3A_207 = arith.constant 0 : i32
      %dma_wait3A_208 = tpu.memref_slice %arg4[%arg0, %mul3A_15, %dma_wait3A_207] : memref<2x1024x128xf32, #tpu.memory_space<hbm>> -> memref<1x64x128xf32, #tpu.memory_space<hbm>>
      %dma_wait3A_209 = tpu.memref_squeeze %dma_wait3A_208 : memref<1x64x128xf32, #tpu.memory_space<hbm>> -> memref<64x128xf32, #tpu.memory_space<hbm>>
      %dma_wait3A_210 = arith.constant 0 : i32
      %dma_wait3A_211 = tpu.memref_slice %arg13[%mul3A_15, %dma_wait3A_210] : memref<1040x128xf32, #tpu.memory_space<vmem_shared>> -> memref<64x128xf32, #tpu.memory_space<vmem_shared>>
      tpu.wait_dma2 semaphore(%run_scoped3A : memref<!tpu.dma_semaphore, #tpu.memory_space<semaphore_mem>>) src(%dma_wait3A_211 : memref<64x128xf32, #tpu.memory_space<vmem_shared>>) dst(%dma_wait3A_209 : memref<64x128xf32, #tpu.memory_space<hbm>>)
      tpu.yield
    }) : () -> ()
    "tpu.region"() ({
      %run_scoped3A = tpu.sem_alloc : memref<!tpu.dma_semaphore, #tpu.memory_space<semaphore_mem>>
      %dma_start3A_202 = arith.constant 0 : i32
      %dma_start3A_203 = tpu.memref_slice %arg5[%arg0, %mul3A_15, %dma_start3A_202] : memref<2x1024x128xf32, #tpu.memory_space<hbm>> -> memref<1x64x128xf32, #tpu.memory_space<hbm>>
      %dma_start3A_204 = tpu.memref_squeeze %dma_start3A_203 : memref<1x64x128xf32, #tpu.memory_space<hbm>> -> memref<64x128xf32, #tpu.memory_space<hbm>>
      %dma_start3A_205 = arith.constant 0 : i32
      %dma_start3A_206 = tpu.memref_slice %arg14[%mul3A_15, %dma_start3A_205] : memref<1040x128xf32, #tpu.memory_space<vmem_shared>> -> memref<64x128xf32, #tpu.memory_space<vmem_shared>>
      tpu.enqueue_dma source(%dma_start3A_206 : memref<64x128xf32, #tpu.memory_space<vmem_shared>>) target(%dma_start3A_204 : memref<64x128xf32, #tpu.memory_space<hbm>>) target_semaphore(%run_scoped3A : memref<!tpu.dma_semaphore, #tpu.memory_space<semaphore_mem>>)
      %dma_wait3A_207 = arith.constant 0 : i32
      %dma_wait3A_208 = tpu.memref_slice %arg5[%arg0, %mul3A_15, %dma_wait3A_207] : memref<2x1024x128xf32, #tpu.memory_space<hbm>> -> memref<1x64x128xf32, #tpu.memory_space<hbm>>
      %dma_wait3A_209 = tpu.memref_squeeze %dma_wait3A_208 : memref<1x64x128xf32, #tpu.memory_space<hbm>> -> memref<64x128xf32, #tpu.memory_space<hbm>>
      %dma_wait3A_210 = arith.constant 0 : i32
      %dma_wait3A_211 = tpu.memref_slice %arg14[%mul3A_15, %dma_wait3A_210] : memref<1040x128xf32, #tpu.memory_space<vmem_shared>> -> memref<64x128xf32, #tpu.memory_space<vmem_shared>>
      tpu.wait_dma2 semaphore(%run_scoped3A : memref<!tpu.dma_semaphore, #tpu.memory_space<semaphore_mem>>) src(%dma_wait3A_211 : memref<64x128xf32, #tpu.memory_space<vmem_shared>>) dst(%dma_wait3A_209 : memref<64x128xf32, #tpu.memory_space<hbm>>)
      tpu.yield
    }) : () -> ()
    return
  }
}

</mosaic_0001>

<sc_bundles>
// kernel: _sc_partials.3.cloned.1.call-start
scs
__scs_entry_jumppad:
0x0: {  	(pc) =	sbr.rel $0x88, $3  }
0x1: {  	(tag) =	ssettag $0x0;
	lr =	simm.s32 $0x1  }
0x2: {  	[smem:$0x3F9F] =	sst lr;
	_ =	strace $0xD0000000  }
0x3: {  	_ = 	snop  }
0x4: {  	_ = 	snop  }
0x5: {  	_ = 	snop  }
0x6: {  	_ = 	snop  }
0x7: {  	_ = 	snop  }
__scs_overlays_trampoline_lowered:
0x8: {  	[smem:$0x3FAE] =	sst s0  }
0x9: {  	[smem:$0x3FAF] =	sst s1  }
0xa: {  	[smem:$0x3FB0] =	sst s2  }
0xb: {  	[smem:$0x3FB1] =	sst s3  }
0xc: {  	[smem:$0x3FB2] =	sst s4  }
0xd: {  	[smem:$0x3FB3] =	sst s5  }
0xe: {  	[smem:$0x3FB4] =	sst s6  }
0xf: {  	[smem:$0x3FB5] =	sst s7  }
0x10: {  	[smem:$0x3FB6] =	sst s8  }
0x11: {  	[smem:$0x3FB7] =	sst s9;
	s0 =	simm.s32 @!p0 $0x0  }
0x12: {  	s1 =	sld [smem:$0x3F9D];
	s0 =	simm.s32 @p0 $0x1  }
0x13: {  	[smem:$0x3FB8] =	sst s0;
	s0 =	simm.s32 @!p1 $0x0  }
0x14: {  	s2 =	sld [smem:$0x3F9C];
	s0 =	simm.s32 @p1 $0x1  }
0x15: {  	[smem:$0x3FB9] =	sst s0;
	s0 =	simm.s32 @!p2 $0x0  }
0x16: {  	s3 =	sld [smem:$0x3FDB];
	s0 =	simm.s32 @p2 $0x1  }
0x17: {  	s4 =	simm.s32 $0x1BF5;
	[smem:$0x3FBB] =	sst s0  }
0x18: {  	s0 =	sld [smem:$0x3F9E];
	_ =	swait.ge [sflag:s4], $0x0  }
0x19: {  	s7 =	sld [smem:$0x3F9F]  }
0x1a: {  	s8 =	sadd.s32 $0xFFFFE003, lr  }
0x1b: {  	s9 =	sadd.s32 $0xFFFFFEF7, lr;
	s5 =	simm.s32 $0xFFFFFFFF;
	p2 =	slt.u32 s8, $0xFFFFF086  }
0x1c: {  	p1 =	slt.u32 s9, $0xF7A;
	s5 =	simm.s32 @!p2 $0x0  }
0x1d: {  	s5 =	simm.s32 @p1 $0x1;
	p0 =	seq.s32 s7, s2  }
0x1e: {  	s7 =	smul.u32 @!p0 $0xF7A, s2;
	p2 =	seq.s32 @!p0 s5, $0x0  }
0x1f: {  	s9 =	smul.u32 $0xF7A, s1;
	s8 =	simm.s32 @!p0 $0x1BF5;
	p2 =	por !p2, p0  }
0x20: {  	[sflag:s8] =	ssyncset.s32 @!p0 $0xFFFFF086;
	s6 =	sadd.s32 @!p0 s3, s7;
	s7 =	simm.s32 @!p0 $0x108  }
0x21: {  	s3 =	sadd.s32 s3, s9;
	s6 =	sadd.s32 @!p0 $0x88, s6;
	s7 =	simm.s32 @p2 $0x1082  }
0x22: {  	[simem:s7], [sflag:s8] =	dma.local @!p0 [hbm:s6], $0xF7A  }
0x23: {  	s9 =	sor.u32 $0xD0000000, s2;
	s6 =	simm.s32 $0x108;
	_ =	swait.ge @!p0 [sflag:s8], $0x0  }
0x24: {  	s3 =	sadd.s32 $0x88, s3;
	s6 =	simm.s32 @!p1 $0x1082;
	[sflag:s4] =	ssyncset.s32 $0xFFFFF086  }
0x25: {  	[simem:s6], [sflag:s4] =	dma.local [hbm:s3], $0xF7A  }
0x26: {  	[smem:$0x3F9F] =	sst s1;
	(tag) =	ssettag s2;
	_ =	strace s9  }
0x27: {  	s1 =	sld [smem:$0x3FAF]  }
0x28: {  	s2 =	sld [smem:$0x3FB0]  }
0x29: {  	s4 =	sld [smem:$0x3FB2]  }
0x2a: {  	p0 =	seq.s32 s5, $0x0;
	s5 =	sld [smem:$0x3FB3]  }
0x2b: {  	s6 =	sld [smem:$0x3FB4]  }
0x2c: {  	s7 =	sld [smem:$0x3FB5]  }
0x2d: {  	s3 =	simm.s32 $0x108;
	s8 =	sld [smem:$0x3FB6]  }
0x2e: {  	s3 =	simm.s32 @!p0 $0x1082;
	s9 =	sld [smem:$0x3FB7]  }
0x2f: {  	lr =	sadd.s32 s0, s3;
	s0 =	sld [smem:$0x3FAE]  }
0x30: {  	s3 =	sld [smem:$0x3FB1]  }
0x31: {  	[smem:$0x3FBA] =	sst s10  }
0x32: {  	s10 =	sld [smem:$0x3FB8];
	_ =	sdelay $0x3  }
0x33: {  	p0 =	seq.s32 s10, $0x1;
	s10 =	sld [smem:$0x3FBA];
	_ =	sdelay $0x3  }
0x34: {  	[smem:$0x3FBA] =	sst s10  }
0x35: {  	s10 =	sld [smem:$0x3FB9];
	_ =	sdelay $0x3  }
0x36: {  	p1 =	seq.s32 s10, $0x1;
	s10 =	sld [smem:$0x3FBA];
	_ =	sdelay $0x3  }
0x37: {  	[smem:$0x3FBA] =	sst s10  }
0x38: {  	s10 =	sld [smem:$0x3FBB]  }
0x39: {  	_ = 	snop;
	(pc) =	sbr.ind lr, $3  }
0x3a: {  	_ = 	snop  }
0x3b: {  	_ = 	snop  }
0x3c: {  	p2 =	seq.s32 s10, $0x1;
	s10 =	sld [smem:$0x3FBA]  }
0x3d: {  	_ =	shalt  }
0x3e: {  	_ =	shalt  }
0x3f: {  	_ =	shalt  }
0x40: {  	_ =	shalt  }
0x41: {  	_ =	shalt  }
0x42: {  	_ =	shalt  }
0x43: {  	_ =	shalt  }
0x44: {  	_ =	shalt  }
0x45: {  	_ =	shalt  }
0x46: {  	_ =	shalt  }
0x47: {  	_ =	shalt  }
0x48: {  	_ =	shalt  }
0x49: {  	_ =	shalt  }
0x4a: {  	_ =	shalt  }
0x4b: {  	_ =	shalt  }
0x4c: {  	_ =	shalt  }
0x4d: {  	_ =	shalt  }
0x4e: {  	_ =	shalt  }
0x4f: {  	_ =	shalt  }
0x50: {  	_ =	shalt  }
0x51: {  	_ =	shalt  }
0x52: {  	_ =	shalt  }
0x53: {  	_ =	shalt  }
0x54: {  	_ =	shalt  }
0x55: {  	_ =	shalt  }
0x56: {  	_ =	shalt  }
0x57: {  	_ =	shalt  }
0x58: {  	_ =	shalt  }
0x59: {  	_ =	shalt  }
0x5a: {  	_ =	shalt  }
0x5b: {  	_ =	shalt  }
0x5c: {  	_ =	shalt  }
0x5d: {  	_ =	shalt  }
0x5e: {  	_ =	shalt  }
0x5f: {  	_ =	shalt  }
0x60: {  	_ =	shalt  }
0x61: {  	_ =	shalt  }
0x62: {  	_ =	shalt  }
0x63: {  	_ =	shalt  }
0x64: {  	_ =	shalt  }
0x65: {  	_ =	shalt  }
0x66: {  	_ =	shalt  }
0x67: {  	_ =	shalt  }
0x68: {  	_ =	shalt  }
0x69: {  	_ =	shalt  }
0x6a: {  	_ =	shalt  }
0x6b: {  	_ =	shalt  }
0x6c: {  	_ =	shalt  }
0x6d: {  	_ =	shalt  }
0x6e: {  	_ =	shalt  }
0x6f: {  	_ =	shalt  }
0x70: {  	_ =	shalt  }
0x71: {  	_ =	shalt  }
0x72: {  	_ =	shalt  }
0x73: {  	_ =	shalt  }
0x74: {  	_ =	shalt  }
0x75: {  	_ =	shalt  }
0x76: {  	_ =	shalt  }
0x77: {  	_ =	shalt  }
0x78: {  	_ =	shalt  }
0x79: {  	_ =	shalt  }
0x7a: {  	_ =	shalt  }
0x7b: {  	_ =	shalt  }
0x7c: {  	_ =	shalt  }
0x7d: {  	_ =	shalt  }
0x7e: {  	_ =	shalt  }
0x7f: {  	_ =	shalt  }
0x80: {  	_ =	shalt  }
0x81: {  	_ =	shalt  }
0x82: {  	_ =	shalt  }
0x83: {  	_ =	shalt  }
0x84: {  	_ =	shalt  }
0x85: {  	_ =	shalt  }
0x86: {  	_ =	shalt  }
0x87: {  	_ =	shalt  }
.Lfunc_end0:
.L_simem_size_0:
called_computation_lowered:
.L_overlay_start_0:
0x88: {  	s2 =	sld [smem:$0x3FD9]  }
0x89: {  	s3 =	sld [smem:$0x3FFE];
	_ =	sdelay $0x1  }
0x8a: {  	s1 =	srdreg.scid  }
0x8b: {  	s0 =	sand.u32 $0x1, s1  }
0x8c: {  	s15 =	sshll.u32 s0, $0xA;
	s2 =	sadd.s32 s3, s2  }
0x8d: {  	s2 =	sadd.s32 s2, s15  }
0x8e: {  	[smem:$0x3FC6] =	sst s2  }
0x8f: {  	_ = 	snop  }
0x90: {  	s2 =	sld [smem:$0x3FD0];
	_ =	sdelay $0x1  }
0x91: {  	s16 =	sld [smem:$0x3FC9]  }
0x92: {  	s5 =	simm.s32 $0xA;
	s6 =	simm.s32 $0x10;
	s4 =	sld [smem:$0x3FC8]  }
0x93: {  	[smem:s6], [sflag:s5] =	dma.local [hbm:s2], $0x1  }
0x94: {  	_ =	swait.eq [sflag:s5], $0x1  }
0x95: {  	[sflag:s5] =	ssyncset.done $0x0  }
0x96: {  	s17 =	sld [smem:$0x10];
	[sflag:s5] =	ssyncadd.s32 $0xFFFFFFFF  }
0x97: {  	s18 =	sld [smem:$0x11];
	(tm) =	ssettm $0x1  }
0x98: {  	s19 =	sld [smem:$0x3FFB];
	_ =	sdelay $0x3  }
0x99: {  	_ =	strace s19  }
0x9a: {  	s6 =	sld [smem:$0x3FFC];
	_ =	sdelay $0x3  }
0x9b: {  	_ =	strace s6  }
0x9c: {  	s6 =	sld [smem:$0x3FFD];
	_ =	sdelay $0x3  }
0x9d: {  	_ =	strace s6  }
0x9e: {  	_ =	strace $0x8FFFFFFF  }
0x9f: {  	s20 =	sld [smem:$0x3FDB];
	_ =	sdelay $0x1  }
0xa0: {  	s7 =	simm.s32 $_scs_section_size  }
0xa1: {  	s8 =	simm.s32 $_size__tile_overlayer_lowered;
	s9 =	simm.s32 $_tile_overlayer_lowered  }
0xa2: {  	s23 =	simm.s32 $0x1BFF;
	s22 =	sshll.u32 s9, $0x1;
	s6 =	sadd.s32 s7, s20  }
0xa3: {  	s10 =	simm.s32 $0x0;
	s21 =	sshll.u32 s8, $0x1;
	s8 =	sadd.s32 s22, s6  }
0xa4: {  	[timem:s10], [sflag:s23] =	dma.local [hbm:s8], s21  }
0xa5: {  	_ =	swait.ge [sflag:s23], s21  }
0xa6: {  	s7 =	ssub.s32 $0x0, s21;
	[sflag:s23] =	ssyncset.done $0x0  }
0xa7: {  	[sflag:s23] =	ssyncadd.s32 s7;
	_ =	sdelay $0x1  }
0xa8: {  	s24 =	simm.s32 $0x1B8B  }
0xa9: {  	_ =	swait.ge [sflag:s24], $0x1  }
0xaa: {  	[sflag:s24] =	ssyncset.done $0x0  }
0xab: {  	s25 =	simm.s32 $0x1B8E;
	[sflag:s24] =	ssyncadd.s32 $0xFFFFFFFF  }
0xac: {  	s26 =	simm.s32 $execute0_lowered;
	[smem:$0x3FD2] =	sst s25  }
0xad: {  	s7 =	sshll.u32 s26, $0x1;
	_ =	strace $0x80000046;
	[dreg:$0x1] =	wrdreg $0xFFFFFFFF  }
0xae: {  	s28 =	simm.s32 $_size_execute0_lowered;
	s6 =	sadd.s32 s6, s7;
	[dreg:$0x0] =	wrdreg $0x0  }
0xaf: {  	s7 =	sshll.u32 s28, $0x1;
	[dreg:$0x2] =	wrdreg s6  }
0xb0: {  	[dreg:$0x3] =	wrdreg s7  }
0xb1: {  	[dreg:$0x4] =	wrdreg $0xC0  }
0xb2: {  	_ =	task [dreg:s10], $0x5FFFF  }
0xb3: {  	[dreg:$0x1] =	wrdreg $0xFFFFFFFF  }
0xb4: {  	[dreg:$0x0] =	wrdreg $0x60  }
0xb5: {  	[dreg:$0x2] =	wrdreg s16  }
0xb6: {  	[dreg:$0x3] =	wrdreg s4  }
0xb7: {  	[dreg:$0x4] =	wrdreg s17  }
0xb8: {  	[dreg:$0x5] =	wrdreg s18  }
0xb9: {  	[dreg:$0x6] =	wrdreg $0x101000  }
0xba: {  	[dreg:$0x7] =	wrdreg $0x121800  }
0xbb: {  	[dreg:$0x8] =	wrdreg $0x9  }
0xbc: {  	_ =	task.clear_ibuf [dreg:s10], $0x9FFFF;
	_ =	strace $0x90000046  }
0xbd: {  	s29 =	simm.s32 $0x9;
	_ =	strace $0x80000048  }
0xbe: {  	_ =	swait.ge [sflag:s29], $0x1  }
0xbf: {  	[sflag:s29] =	ssyncadd.s32 $0xFFFFFFFF  }
0xc0: {  	_ =	strace $0x90000048  }
0xc1: {  	_ =	sfence  }
0xc2: {  	s30 =	sld [smem:$0x0];
	_ =	sdelay $0x2  }
0xc3: {  	s31 =	sshll.u32 s1, $0xD;
	s1 =	sshrl.u32 s1, $0x2  }
0xc4: {  	s3 =	sand.u32 $0x4000, s31;
	s1 =	sadd.s32 s1, s30  }
0xc5: {  	s0 =	sor.u32 s3, s0;
	s1 =	sshll.u32 s1, $0x11  }
0xc6: {  	s0 =	sor.u32 s1, s0  }
0xc7: {  	s0 =	sadd.s32 $0x8F2B, s0  }
0xc8: {  	[sflag:s0] =	ssyncadd.remote.s32 $0x1  }
0xc9: {  	_ =	sfence.sel $0xFFFF  }
0xca: {  	[dreg:$0x0] =	wrdreg $0xFFFFFFFF;
	(pc) =	sbr.abs _section_cstart, $3  }
0xcb: {  	[dreg:$0x1] =	wrdreg $0xFFFFFFFF  }
0xcc: {  	_ =	task.clear_ibuf [dreg:s10], $0x2FFFF;
	_ =	strace $0x9FFFFFFF  }
0xcd: {  	(tm) =	ssettm $0x7FFFFFFF  }
tec
execute0_lowered:
.L_overlay_start_1:
0x0: {  	(tag) =	ssettag $0x1  }
0x1: {  	s2 =	srdreg.scid  }
0x2: {  	s13 =	sand.u32 $0x1, s2  }
0x3: {  	s31 =	stileid.u32;
	s7 =	sshll.u32 s13, $0x4  }
0x4: {  	s7 =	sor.u32 s31, s7  }
0x5: {  	s8 =	smul.u32 $0xC38, s7;
	_ =	sdelay $0x1  }
0x6: {  	s0 =	rddreg [dreg:$0x0];
	s19 =	sadd.s32 $0xC00, s8  }
0x7: {  	s1 =	rddreg [dreg:$0x1];
	v0 =	vlaneseq.u32;
	s10 =	smin.u32 s8, $0x17A68;
	s15 =	smin.u32 s19, $0x18620  }
0x8: {  	s11 =	rddreg [dreg:$0x2];
	s20 =	sadd.s32 $0xC38, s10;
	v2 =	vadd.s32 s15, v0  }
0x9: {  	s12 =	rddreg [dreg:$0x3];
	s21 =	sadd.s32 $0x10, s15;
	vm0 =	vge.u32 v2, s19;
	vm1 =	vlt.u32 v2, s20  }
0xa: {  	s4 =	rddreg [dreg:$0x4];
	s6 =	simm.s32 $0x0;
	v3 =	vimm.s32 $0x0;
	v2 =	vadd.s32 s21, v0;
	vm0 =	vmand vm0, vm1  }
0xb: {  	[smem:$0x7FF] =	sst s6;
	s18 =	sadd.s32 $0x20, s15;
	vm14 =	vge.u32 v2, s19;
	vm15 =	vlt.u32 v2, s20;
	v3 =	vsel vm0, $0xFFFFFFFF, v3  }
0xc: {  	s5 =	rddreg [dreg:$0x5];
	_ =	strace $0x80000047;
	v2 =	vimm.s32 $0x0;
	vm0 =	vmand vm14, vm15;
	[tilespmem:$0x1FF80] =	vst v3;
	v3 =	vadd.s32 s18, v0  }
0xd: {  	v2 =	vsel vm0, $0xFFFFFFFF, v2;
	vm2 =	vge.u32 v3, s19;
	vm3 =	vlt.u32 v3, s20  }
0xe: {  	[tilespmem:$0x1FF90] =	vst v2;
	v2 =	vimm.s32 $0x0;
	vm4 =	vmand vm2, vm3  }
0xf: {  	s24 =	sadd.s32 $0x30, s15;
	v2 =	vsel vm4, $0xFFFFFFFF, v2  }
0x10: {  	[tilespmem:$0x1FFA0] =	vst v2;
	v2 =	vadd.s32 s24, v0  }
0x11: {  	s26 =	sadd.s32 $0x40, s15;
	vm5 =	vge.u32 v2, s19;
	vm6 =	vlt.u32 v2, s20  }
0x12: {  	s30 =	smul.u32 $0xC38, s31;
	v3 =	vimm.s32 $0x0;
	v2 =	vadd.s32 s26, v0;
	vm0 =	vmand vm5, vm6  }
0x13: {  	s9 =	ssub.s32 $0x2, s13;
	s28 =	smul.u32 $0xC380, s13;
	s29 =	sadd.s32 $0x50, s15;
	vm7 =	vge.u32 v2, s19;
	vm8 =	vlt.u32 v2, s20;
	v3 =	vsel vm0, $0xFFFFFFFF, v3  }
0x14: {  	s16 =	sshll.u32 s31, $0xD;
	s25 =	sshll.u32 s13, $0x11;
	s14 =	sshrl.u32 s9, $0x1;
	v2 =	vimm.s32 $0x0;
	vm0 =	vmand vm7, vm8;
	[tilespmem:$0x1FFB0] =	vst v3;
	v3 =	vadd.s32 s29, v0  }
0x15: {  	s14 =	ssub.s32 s9, s14;
	s17 =	smul.u32 $0xC380, s7;
	s31 =	sadd.s32 s30, s28;
	v2 =	vsel vm0, $0xFFFFFFFF, v2;
	vm9 =	vge.u32 v3, s19;
	vm10 =	vlt.u32 v3, s20  }
0x16: {  	s7 =	sadd.s32 s16, s4;
	s13 =	smax.u32 s14, $0x1;
	[dreg:$0x7] =	wrdreg s31;
	[tilespmem:$0x1FFC0] =	vst v2;
	v2 =	vimm.s32 $0x0;
	vm11 =	vmand vm9, vm10  }
0x17: {  	s22 =	sshrl.u32 s8, $0x3;
	s8 =	sadd.s32 s16, s5;
	s21 =	sadd.s32 $0x60, s15;
	v2 =	vsel vm11, $0xFFFFFFFF, v2  }
0x18: {  	s23 =	sadd.s32 s0, s17;
	s3 =	sadd.s32 s1, s22;
	s22 =	sadd.s32 $0x70, s15;
	v3 =	vimm.s32 $0x0;
	[tilespmem:$0x1FFD0] =	vst v2;
	v2 =	vadd.s32 s21, v0  }
0x19: {  	s16 =	sor.u32 s16, s25;
	s17 =	simm.s32 $0x8000;
	[dreg:$0x9] =	wrdreg s23;
	vm12 =	vge.u32 v2, s19;
	vm13 =	vlt.u32 v2, s20;
	v2 =	vadd.s32 s22, v0  }
0x1a: {  	s16 =	sshrl.u32 s16, $0x3;
	s23 =	simm.s32 $0x2;
	[dreg:$0x8] =	wrdreg s3;
	vm0 =	vmand vm12, vm13;
	vm14 =	vge.u32 v2, s19;
	vm15 =	vlt.u32 v2, s20  }
0x1b: {  	s11 =	sadd.s32 s11, s16;
	s12 =	sadd.s32 s12, s16;
	s15 =	simm.s32 $0x3;
	v2 =	vimm.s32 $0x0;
	v3 =	vsel vm0, $0xFFFFFFFF, v3;
	vm0 =	vmand vm14, vm15  }
0x1c: {  	s18 =	simm.s32 $0x8080;
	s24 =	simm.s32 $0x0;
	s21 =	simm.s32 $0x80;
	[tilespmem:$0x1FFE0] =	vst v3;
	v2 =	vsel vm0, $0xFFFFFFFF, v2  }
0x1d: {  	v1 =	vmov s20;
	s22 =	simm.s32 $0x8100;
	s19 =	simm.s32 $0x4000;
	s20 =	simm.s32 $0x1;
	v3 =	vimm.f32 $0.0e+00;
	[tilespmem:$0x1FFF0] =	vst v2;
	v2 =	vimm.f32 $1.000000000e+00  }
.LBB2_1:
0x1e: {  	s25 =	simm.s32 $0x0;
	s26 =	simm.s32 $0x200  }
.LBB2_2:
0x1f: {  	p0 =	sne.s32 s26, $0xFE00;
	[tilespmem:s25+$0x8170] =	vst v2  }
0x20: {  	[tilespmem:s25+$0x8100] =	vst v2  }
0x21: {  	[tilespmem:s25+$0x8110] =	vst v2  }
.Ltmp0:
0x22: {  	[tilespmem:s25+$0x8120] =	vst v2;
	(pc) =	sbr.rel @p0 .LBB2_2-.Ltmp0, $4  }
0x23: {  	[tilespmem:s25+$0x8130] =	vst v2  }
0x24: {  	[tilespmem:s25+$0x8140] =	vst v2  }
0x25: {  	[tilespmem:s25+$0x8150] =	vst v2  }
0x26: {  	[tilespmem:s25+$0x8160] =	vst v2;
	s25 =	sshra.s32 s26, $0x2;
	s26 =	sadd.s32 $0x200, s26  }
0x27: {  	[tilespmem:s25+$0x8170] =	vst v2  }
0x28: {  	[tilespmem:s25+$0x8100] =	vst v2  }
0x29: {  	[tilespmem:s25+$0x8110] =	vst v2  }
0x2a: {  	[tilespmem:s25+$0x8120] =	vst v2  }
0x2b: {  	[tilespmem:s25+$0x8130] =	vst v2  }
0x2c: {  	[tilespmem:s25+$0x8140] =	vst v2  }
0x2d: {  	[tilespmem:s25+$0x8150] =	vst v2  }
0x2e: {  	[tilespmem:s25+$0x8160] =	vst v2;
	s25 =	simm.s32 $0x0;
	s26 =	simm.s32 $0x200  }
.LBB2_4:
0x2f: {  	p0 =	sne.s32 s26, $0x7E00;
	[tilespmem:s25+$0xE170] =	vst v3  }
0x30: {  	[tilespmem:s25+$0xC100] =	vst v3  }
0x31: {  	[tilespmem:s25+$0xC110] =	vst v3  }
0x32: {  	[tilespmem:s25+$0xC120] =	vst v3  }
0x33: {  	[tilespmem:s25+$0xC130] =	vst v3  }
0x34: {  	[tilespmem:s25+$0xC140] =	vst v3  }
0x35: {  	[tilespmem:s25+$0xC150] =	vst v3  }
0x36: {  	[tilespmem:s25+$0xC160] =	vst v3  }
0x37: {  	[tilespmem:s25+$0xC170] =	vst v3  }
0x38: {  	[tilespmem:s25+$0xE100] =	vst v3  }
0x39: {  	[tilespmem:s25+$0xE110] =	vst v3  }
.Ltmp1:
0x3a: {  	[tilespmem:s25+$0xE120] =	vst v3;
	(pc) =	sbr.rel @p0 .LBB2_4-.Ltmp1, $4  }
0x3b: {  	[tilespmem:s25+$0xE130] =	vst v3  }
0x3c: {  	[tilespmem:s25+$0xE140] =	vst v3  }
0x3d: {  	[tilespmem:s25+$0xE150] =	vst v3  }
0x3e: {  	[tilespmem:s25+$0xE160] =	vst v3;
	s25 =	sshra.s32 s26, $0x2;
	s26 =	sadd.s32 $0x200, s26  }
0x3f: {  	[tilespmem:s25+$0xE170] =	vst v3  }
0x40: {  	[tilespmem:s25+$0xC100] =	vst v3  }
0x41: {  	[tilespmem:s25+$0xC110] =	vst v3  }
0x42: {  	[tilespmem:s25+$0xC120] =	vst v3  }
0x43: {  	[tilespmem:s25+$0xC130] =	vst v3  }
0x44: {  	[tilespmem:s25+$0xC140] =	vst v3  }
0x45: {  	[tilespmem:s25+$0xC150] =	vst v3  }
0x46: {  	[tilespmem:s25+$0xC160] =	vst v3  }
0x47: {  	[tilespmem:s25+$0xC170] =	vst v3  }
0x48: {  	[tilespmem:s25+$0xE100] =	vst v3  }
0x49: {  	[tilespmem:s25+$0xE110] =	vst v3  }
0x4a: {  	[tilespmem:s25+$0xE120] =	vst v3  }
0x4b: {  	[tilespmem:s25+$0xE130] =	vst v3  }
0x4c: {  	[tilespmem:s25+$0xE140] =	vst v3  }
0x4d: {  	[tilespmem:s25+$0xE150] =	vst v3  }
0x4e: {  	[tilespmem:s25+$0xE160] =	vst v3;
	s2 =	simm.s32 $0xC100  }
0x4f: {  	[spmem:s7] =	stream.linear.scatter [tilespmem:s2], [sflag:$0x3], $0x2000, $0x38;
	[tilespmem:$0x14200] =	vst v63  }
0x50: {  	_ =	swait.ge [sflag:s15], $0x2000  }
0x51: {  	[sflag:s15] =	ssyncset.done $0x0  }
0x52: {  	s26 =	simm.s32 $0xE100;
	[sflag:s15] =	ssyncadd.s32 $0xFFFFE000  }
0x53: {  	[spmem:s8] =	stream.linear.scatter [tilespmem:s26], [sflag:$0x3], $0x2000, $0x38;
	[tilespmem:$0x14200] =	vst v63  }
0x54: {  	_ =	swait.ge [sflag:s15], $0x2000  }
0x55: {  	[sflag:s15] =	ssyncset.done $0x0  }
0x56: {  	[sflag:s15] =	ssyncadd.s32 $0xFFFFE000  }
0x57: {  	[bflag:$0x0] =	sbarrier.arrive $0xFFFF  }
0x58: {  	s29 =	rddreg [dreg:$0x8]  }
0x59: {  	s28 =	simm.s32 $0x0;
	s26 =	rddreg [dreg:$0x7]  }
0x5a: {  	[tilespmem:s17], [sflag:$0x1] =	stream.linear.gather [hbm4b:s29+s28], $0x80, $0x38;
	[tilespmem:$0x14200] =	vst v63  }
0x5b: {  	s30 =	rddreg [dreg:$0x9]  }
0x5c: {  	[tilespmem:s28], [sflag:$0x1] =	stream.linear.gather [hbm4b:s30+s28], $0x4000, $0x38;
	[tilespmem:$0x14200] =	vst v63  }
0x5d: {  	s28 =	sadd.s32 $0x0, s26  }
0x5e: {  	s25 =	sadd.s32 $0x80, s28  }
0x5f: {  	p0 =	slt.s32 s25, $0x18620;
	s26 =	smov.u32 s25  }
0x60: {  	s26 =	simm.s32 @!p0 $0x18620  }
0x61: {  	s29 =	sshrl.u32 s26, $0x3  }
0x62: {  	s30 =	sshll.u32 s26, $0x4;
	s29 =	sadd.s32 s1, s29  }
0x63: {  	[tilespmem:s18], [sflag:$0x2] =	stream.linear.gather [hbm4b:s29+s6], $0x80, $0x38;
	[tilespmem:$0x14200] =	vst v63  }
0x64: {  	s31 =	sadd.s32 s0, s30  }
0x65: {  	[tilespmem:s19], [sflag:$0x2] =	stream.linear.gather [hbm4b:s31+s6], $0x4000, $0x38;
	[tilespmem:$0x14200] =	vst v63  }
0x66: {  	_ =	swait.ge [sflag:s20], $0x80  }
0x67: {  	[sflag:s20] =	ssyncset.done $0x0  }
0x68: {  	[sflag:s20] =	ssyncadd.s32 $0xFFFFFF80  }
0x69: {  	_ =	swait.ge [sflag:s20], $0x4000  }
0x6a: {  	s2 =	sadd.s32 $0x20, s28;
	s3 =	sadd.s32 $0x40, s28;
	[sflag:s20] =	ssyncset.done $0x0  }
0x6b: {  	s9 =	sadd.s32 $0x50, s28;
	s16 =	sadd.s32 $0x70, s28;
	v61 =	vadd.s32 s28, v0;
	v4 =	vadd.s32 s2, v0;
	[sflag:s20] =	ssyncadd.s32 $0xFFFFC000  }
0x6c: {  	v5 =	vadd.s32 s3, v0;
	v6 =	vadd.s32 s9, v0;
	v10 =	vadd.s32 s16, v0;
	v7 =	vld [tilespmem:$0x8010]  }
0x6d: {  	s10 =	sadd.s32 $0x10, s28;
	vm1 =	vge.u32 v4, s28;
	vm2 =	vge.u32 v6, s28;
	vm3 =	vlt.u32 v6, v1;
	v8 =	vld [tilespmem:$0x8020]  }
0x6e: {  	v6 =	vadd.s32 s10, v0;
	vm9 =	vge.u32 v10, s28;
	vm10 =	vlt.u32 v10, v1;
	v9 =	vld [tilespmem:$0x8070]  }
0x6f: {  	s14 =	sadd.s32 $0x30, s28;
	vm11 =	vlt.u32 v4, v1;
	vm4 =	vge.u32 v6, s28;
	vm8 =	vlt.u32 v6, v1;
	v11 =	vld [tilespmem:$0x8050]  }
0x70: {  	v6 =	vadd.s32 s14, v0;
	vm1 =	vmand vm1, vm11;
	vm4 =	vmand vm4, vm8;
	v4 =	vld [tilespmem:$0x8030]  }
0x71: {  	vm8 =	vge.u32 v6, s28;
	v7 =	vnsel vm4, $0x400, v7;
	vm4 =	vlt.u32 v6, v1;
	v6 =	vld [tilespmem:$0x8000]  }
0x72: {  	vm0 =	vge.u32 v5, s28;
	vm9 =	vmand vm9, vm10;
	s31 =	sadd.s32 $0x60, s28;
	[tilespmem:$0x8010] =	vst v7;
	v7 =	vnsel vm1, $0x400, v8;
	v8 =	vld [tilespmem:$0x8060]  }
0x73: {  	vm2 =	vmand vm2, vm3;
	v60 =	vadd.s32 s31, v0;
	v9 =	vnsel vm9, $0x400, v9;
	[tilespmem:$0x8020] =	vst v7;
	v7 =	vld [tilespmem:$0x8040]  }
0x74: {  	v11 =	vnsel vm2, $0x400, v11;
	vm2 =	vlt.u32 v60, v1;
	vm3 =	vmand vm8, vm4;
	[tilespmem:$0x8070] =	vst v9  }
0x75: {  	vm1 =	vge.u32 v60, s28;
	vm4 =	vlt.u32 v61, v1;
	[tilespmem:$0x8050] =	vst v11;
	v4 =	vnsel vm3, $0x400, v4  }
0x76: {  	vm1 =	vmand vm1, vm2;
	vm2 =	vlt.u32 v5, v1;
	[tilespmem:$0x8030] =	vst v4;
	v5 =	vnsel vm4, $0x400, v6  }
0x77: {  	vm0 =	vmand vm0, vm2;
	[tilespmem:$0x8000] =	vst v5;
	v4 =	vnsel vm1, $0x400, v8  }
0x78: {  	v5 =	vnsel vm0, $0x400, v7;
	[tilespmem:$0x8060] =	vst v4  }
0x79: {  	[tilespmem:$0x8040] =	vst v5  }
0x7a: {  	[spmem:s4] =	stream.indirect.scatter.add.f32 [tilespmem:s6], [sflag:$0x3], $0x80, s17, s21, $0xb8;
	[tilespmem:$0x14200] =	vst v63  }
0x7b: {  	_ =	swait.ge [sflag:s15], $0x4000  }
0x7c: {  	s3 =	sadd.s32 $0x20, s26;
	s28 =	sadd.s32 $0x100, s28;
	[sflag:s15] =	ssyncset.done $0x0  }
0x7d: {  	s9 =	sadd.s32 $0x70, s26;
	p0 =	slt.s32 s28, $0x18620;
	[sflag:s15] =	ssyncadd.s32 $0xFFFFC000  }
0x7e: {  	[spmem:s5] =	stream.indirect.scatter.add.f32 [tilespmem:s22], [sflag:$0x3], $0x80, s17, s21, $0xb8;
	[tilespmem:$0x14200] =	vst v63  }
0x7f: {  	s10 =	sadd.s32 $0x10, s26;
	s28 =	simm.s32 @!p0 $0x18620;
	_ =	swait.ge [sflag:s15], $0x4000  }
0x80: {  	s31 =	sadd.s32 $0x40, s26;
	s2 =	sshrl.u32 s28, $0x3;
	[sflag:s15] =	ssyncset.done $0x0  }
0x81: {  	s28 =	sshll.u32 s28, $0x4;
	s29 =	sadd.s32 s1, s2;
	[sflag:s15] =	ssyncadd.s32 $0xFFFFC000  }
0x82: {  	[tilespmem:s17], [sflag:$0x1] =	stream.linear.gather [hbm4b:s29+s6], $0x80, $0x38;
	[tilespmem:$0x14200] =	vst v63  }
0x83: {  	s14 =	sadd.s32 $0x30, s26;
	s16 =	sadd.s32 $0x60, s26;
	v63 =	vadd.s32 s26, v0;
	v62 =	vadd.s32 s31, v0;
	s28 =	sadd.s32 s0, s28  }
0x84: {  	v6 =	vadd.s32 s14, v0;
	v8 =	vadd.s32 s16, v0;
	v4 =	vadd.s32 s9, v0;
	[tilespmem:s6], [sflag:$0x1] =	stream.linear.gather [hbm4b:s28+s6], $0x4000, $0x38;
	[tilespmem:$0x14200] =	vst v63  }
0x85: {  	s26 =	sadd.s32 $0x50, s26;
	v7 =	vadd.s32 s10, v0;
	v5 =	vadd.s32 s3, v0;
	vm0 =	vge.s32 v4, s25;
	_ =	swait.ge [sflag:s23], $0x80  }
0x86: {  	vm1 =	vlt.s32 v4, v1;
	v4 =	vadd.s32 s26, v0;
	vm10 =	vge.s32 v7, s25;
	[sflag:s23] =	ssyncset.done $0x0  }
0x87: {  	vm2 =	vge.s32 v5, s25;
	vm3 =	vlt.s32 v5, v1;
	vm9 =	vmand vm0, vm1;
	[sflag:s23] =	ssyncadd.s32 $0xFFFFFF80  }
0x88: {  	vm0 =	vge.s32 v6, s25;
	vm1 =	vlt.s32 v6, v1;
	vm8 =	vmand vm2, vm3;
	_ =	swait.ge [sflag:s23], $0x4000  }
0x89: {  	vm12 =	vmand vm0, vm1;
	vm0 =	vge.s32 v8, s25;
	vm1 =	vlt.s32 v8, v1;
	[sflag:s23] =	ssyncset.done $0x0  }
0x8a: {  	vm2 =	vge.u32 v63, s25;
	vm11 =	vmand vm0, vm1;
	vm0 =	vlt.u32 v63, v1;
	[sflag:s23] =	ssyncadd.s32 $0xFFFFC000  }
0x8b: {  	vm1 =	vlt.s32 v62, v1;
	vm14 =	vmand vm2, vm0;
	vm0 =	vge.s32 v62, s25;
	v6 =	vld [tilespmem:$0x80F0]  }
0x8c: {  	vm13 =	vlt.s32 v7, v1;
	vm15 =	vge.s32 v4, s25;
	s25 =	simm.s32 $0x100;
	vm0 =	vmand vm0, vm1;
	v5 =	vld [tilespmem:$0x80B0]  }
.LBB2_6:
0x8d: {  	v7 =	vld [tilespmem:$0x80A0]  }
0x8e: {  	v8 =	vld [tilespmem:$0x8090]  }
0x8f: {  	v11 =	vld [tilespmem:$0x80C0]  }
0x90: {  	v9 =	vld [tilespmem:$0x80E0];
	v6 =	vnsel vm9, $0x400, v6  }
0x91: {  	v10 =	vld [tilespmem:$0x8080];
	v5 =	vnsel vm12, $0x400, v5;
	[tilespmem:$0x80F0] =	vst v6  }
0x92: {  	vm1 =	vmand vm10, vm13;
	v6 =	vnsel vm8, $0x400, v7;
	v7 =	vld [tilespmem:$0x80D0];
	[tilespmem:$0x80B0] =	vst v5  }
0x93: {  	v8 =	vnsel vm1, $0x400, v8;
	[tilespmem:$0x80A0] =	vst v6  }
0x94: {  	vm1 =	vlt.s32 v4, v1;
	v4 =	vnsel vm0, $0x400, v11;
	[tilespmem:$0x8090] =	vst v8  }
0x95: {  	v5 =	vnsel vm11, $0x400, v9;
	[tilespmem:$0x80C0] =	vst v4  }
0x96: {  	v6 =	vnsel vm14, $0x400, v10;
	vm0 =	vmand vm15, vm1;
	[tilespmem:$0x80E0] =	vst v5  }
0x97: {  	[tilespmem:$0x8080] =	vst v6;
	v4 =	vnsel vm0, $0x400, v7  }
0x98: {  	[tilespmem:$0x80D0] =	vst v4  }
0x99: {  	[spmem:s4] =	stream.indirect.scatter.add.f32 [tilespmem:s19], [sflag:$0x3], $0x80, s18, s21, $0xb8;
	[tilespmem:$0x14200] =	vst v63  }
0x9a: {  	_ =	swait.ge [sflag:s15], $0x4000  }
0x9b: {  	[sflag:s15] =	ssyncset.done $0x0  }
0x9c: {  	[sflag:s15] =	ssyncadd.s32 $0xFFFFC000  }
0x9d: {  	[spmem:s5] =	stream.indirect.scatter.add.f32 [tilespmem:s22], [sflag:$0x3], $0x80, s18, s21, $0xb8;
	[tilespmem:$0x14200] =	vst v63  }
0x9e: {  	_ =	swait.ge [sflag:s15], $0x4000  }
0x9f: {  	s26 =	smov.u32 s25;
	s28 =	rddreg [dreg:$0x7]  }
0xa0: {  	s29 =	sadd.s32 s26, s28  }
0xa1: {  	s28 =	sadd.s32 $0x80, s29;
	s30 =	sadd.s32 $0x20, s29  }
0xa2: {  	p2 =	slt.s32 s28, $0x18620;
	v4 =	vadd.s32 s30, v0;
	s30 =	smov.u32 s28  }
0xa3: {  	s30 =	simm.s32 @!p2 $0x18620  }
0xa4: {  	[sflag:s15] =	ssyncset.done $0x0;
	s14 =	sshrl.u32 s30, $0x3  }
0xa5: {  	v5 =	vimm.s32 $0x0;
	[sflag:s15] =	ssyncadd.s32 $0xFFFFC000;
	vm0 =	vge.u32 v4, s29;
	s16 =	sshll.u32 s30, $0x4;
	s14 =	sadd.s32 s1, s14  }
0xa6: {  	v5 =	vsel vm0, $0xFFFFFFFF, v5;
	[tilespmem:s18], [sflag:$0x2] =	stream.linear.gather [hbm4b:s14+s6], $0x80, $0x38;
	[tilespmem:$0x14200] =	vst v63  }
0xa7: {  	s10 =	sadd.s32 $0x50, s29;
	[tilespmem:$0x1FF70] =	vst v5;
	s9 =	sadd.s32 s0, s16  }
0xa8: {  	[tilespmem:s19], [sflag:$0x2] =	stream.linear.gather [hbm4b:s9+s6], $0x4000, $0x38;
	[tilespmem:$0x14200] =	vst v63  }
0xa9: {  	s2 =	sadd.s32 $0x60, s29;
	v6 =	vadd.s32 s10, v0;
	_ =	swait.ge [sflag:s20], $0x80  }
0xaa: {  	s3 =	sadd.s32 $0x10, s29;
	v7 =	vadd.s32 s2, v0;
	vm1 =	vge.u32 v6, s29;
	vm3 =	vlt.u32 v6, v1;
	[sflag:s20] =	ssyncset.done $0x0  }
0xab: {  	vm4 =	vge.u32 v7, s29;
	v6 =	vadd.s32 s3, v0;
	vm7 =	vlt.u32 v4, v1;
	[sflag:s20] =	ssyncadd.s32 $0xFFFFFF80  }
0xac: {  	s31 =	sadd.s32 $0x40, s29;
	s10 =	sadd.s32 $0x30, s29;
	vm15 =	vmand vm1, vm3;
	vm1 =	vlt.u32 v7, v1;
	vm3 =	vge.u32 v6, s29;
	_ =	swait.ge [sflag:s20], $0x4000  }
0xad: {  	vm8 =	vlt.u32 v6, v1;
	v6 =	vadd.s32 s10, v0;
	v5 =	vadd.s32 s31, v0;
	s31 =	sadd.s32 $0x70, s29;
	[sflag:s20] =	ssyncset.done $0x0  }
0xae: {  	vm1 =	vmand vm4, vm1;
	vm14 =	vmand vm3, vm8;
	v7 =	vadd.s32 s31, v0;
	[sflag:s20] =	ssyncadd.s32 $0xFFFFC000  }
0xaf: {  	vm3 =	vge.u32 v6, s29;
	vm4 =	vge.u32 v7, s29;
	vm8 =	vlt.u32 v7, v1;
	v7 =	vld [tilespmem:$0x8010]  }
0xb0: {  	s16 =	sadd.s32 $0x20, s30;
	vm9 =	vlt.u32 v6, v1;
	vm2 =	vge.u32 v5, s29;
	vm10 =	vlt.u32 v5, v1  }
0xb1: {  	s31 =	sadd.s32 $0x70, s30;
	vm3 =	vmand vm3, vm9;
	v6 =	vadd.s32 s16, v0;
	vm2 =	vmand vm2, vm10  }
0xb2: {  	s3 =	sadd.s32 $0x30, s30;
	v5 =	vadd.s32 s31, v0;
	vm10 =	vge.s32 v6, s28;
	vm11 =	vlt.s32 v6, v1  }
0xb3: {  	s2 =	sadd.s32 $0x10, s30;
	v6 =	vadd.s32 s3, v0;
	vm4 =	vmand vm4, vm8;
	vm8 =	vge.s32 v5, s28  }
0xb4: {  	vm9 =	vlt.s32 v5, v1;
	v5 =	vadd.s32 s2, v0;
	v4 =	vnsel vm14, $0x400, v7;
	v7 =	vld [tilespmem:$0x1FF70]  }
0xb5: {  	vm12 =	vlt.s32 v6, v1;
	vm9 =	vmand vm8, vm9;
	vm8 =	vmand vm10, vm11  }
0xb6: {  	s14 =	sadd.s32 $0x60, s30;
	vm10 =	vge.s32 v5, s28;
	vm13 =	vlt.s32 v5, v1;
	vm11 =	vge.s32 v6, s28;
	v5 =	vld [tilespmem:$0x8020]  }
0xb7: {  	v8 =	vadd.s32 s30, v0;
	v6 =	vadd.s32 s14, v0;
	vm12 =	vmand vm11, vm12;
	v61 =	vld [tilespmem:$0x8070]  }
0xb8: {  	vm11 =	vge.s32 v6, s28;
	vm5 =	vlt.s32 v6, v1;
	v6 =	vadd.s32 s29, v0;
	v62 =	vld [tilespmem:$0x8050]  }
0xb9: {  	vm11 =	vmand vm11, vm5;
	vm5 =	vlt.u32 v6, v1;
	v6 =	vld [tilespmem:$0x8030];
	vm14 =	vnez.u8 v7  }
0xba: {  	vm6 =	vge.u32 v8, s28;
	vm0 =	vlt.u32 v8, v1;
	v8 =	vld [tilespmem:$0x8000];
	vm7 =	vmand vm14, vm7  }
0xbb: {  	[tilespmem:$0x8010] =	vst v4;
	v7 =	vld [tilespmem:$0x8060];
	v5 =	vnsel vm7, $0x400, v5  }
0xbc: {  	v9 =	vnsel vm4, $0x400, v61;
	[tilespmem:$0x8020] =	vst v5;
	v5 =	vld [tilespmem:$0x8040]  }
0xbd: {  	v10 =	vnsel vm15, $0x400, v62;
	[tilespmem:$0x8070] =	vst v9  }
0xbe: {  	v6 =	vnsel vm3, $0x400, v6;
	[tilespmem:$0x8050] =	vst v10  }
0xbf: {  	v8 =	vnsel vm5, $0x400, v8;
	[tilespmem:$0x8030] =	vst v6  }
0xc0: {  	[tilespmem:$0x8000] =	vst v8;
	v6 =	vnsel vm1, $0x400, v7  }
0xc1: {  	[tilespmem:$0x8060] =	vst v6;
	v5 =	vnsel vm2, $0x400, v5  }
0xc2: {  	[tilespmem:$0x8040] =	vst v5  }
0xc3: {  	[spmem:s4] =	stream.indirect.scatter.add.f32 [tilespmem:s6], [sflag:$0x3], $0x80, s17, s21, $0xb8;
	[tilespmem:$0x14200] =	vst v63  }
0xc4: {  	_ =	swait.ge [sflag:s15], $0x4000  }
0xc5: {  	s26 =	sadd.s32 $0x100, s29;
	[sflag:s15] =	ssyncset.done $0x0  }
0xc6: {  	p1 =	slt.s32 s26, $0x18620;
	[sflag:s15] =	ssyncadd.s32 $0xFFFFC000  }
0xc7: {  	[spmem:s5] =	stream.indirect.scatter.add.f32 [tilespmem:s22], [sflag:$0x3], $0x80, s17, s21, $0xb8;
	[tilespmem:$0x14200] =	vst v63  }
0xc8: {  	s26 =	simm.s32 @!p1 $0x18620;
	s10 =	sadd.s32 $0x50, s30;
	_ =	swait.ge [sflag:s15], $0x4000  }
0xc9: {  	s9 =	sadd.s32 $0x40, s30;
	s30 =	sshrl.u32 s26, $0x3;
	[sflag:s15] =	ssyncset.done $0x0  }
0xca: {  	s31 =	sshll.u32 s26, $0x4;
	s2 =	sadd.s32 s1, s30;
	[sflag:s15] =	ssyncadd.s32 $0xFFFFC000  }
0xcb: {  	[tilespmem:s17], [sflag:$0x1] =	stream.linear.gather [hbm4b:s2+s6], $0x80, $0x38;
	[tilespmem:$0x14200] =	vst v63  }
0xcc: {  	s3 =	sadd.s32 s0, s31  }
0xcd: {  	[tilespmem:s6], [sflag:$0x1] =	stream.linear.gather [hbm4b:s3+s6], $0x4000, $0x38;
	[tilespmem:$0x14200] =	vst v63  }
0xce: {  	_ =	swait.ge [sflag:s23], $0x80  }
0xcf: {  	[sflag:s23] =	ssyncset.done $0x0  }
0xd0: {  	p0 =	sne.s32 s25, $0xB00;
	[sflag:s23] =	ssyncadd.s32 $0xFFFFFF80  }
.Ltmp2:
0xd1: {  	_ =	swait.ge [sflag:s23], $0x4000;
	(pc) =	sbr.rel @p0 .LBB2_6-.Ltmp2, $4  }
0xd2: {  	v63 =	vadd.s32 s9, v0;
	[sflag:s23] =	ssyncset.done $0x0  }
0xd3: {  	vm4 =	vlt.s32 v63, v1;
	[sflag:s23] =	ssyncadd.s32 $0xFFFFC000  }
0xd4: {  	v4 =	vadd.s32 s10, v0;
	vm14 =	vmand vm6, vm0;
	vm0 =	vge.s32 v63, s28;
	v6 =	vld [tilespmem:$0x80F0]  }
0xd5: {  	s25 =	sadd.s32 $0x100, s25;
	vm15 =	vge.s32 v4, s28;
	vm0 =	vmand vm0, vm4;
	v5 =	vld [tilespmem:$0x80B0]  }
0xd6: {  	v7 =	vld [tilespmem:$0x80A0]  }
0xd7: {  	v8 =	vld [tilespmem:$0x8090]  }
0xd8: {  	v9 =	vld [tilespmem:$0x8080]  }
0xd9: {  	v10 =	vld [tilespmem:$0x80C0];
	v6 =	vnsel vm9, $0x400, v6  }
0xda: {  	v56 =	vld [tilespmem:$0x80D0];
	[tilespmem:$0x80F0] =	vst v6;
	v5 =	vnsel vm12, $0x400, v5  }
0xdb: {  	vm1 =	vmand vm10, vm13;
	v11 =	vld [tilespmem:$0x80E0];
	v7 =	vnsel vm8, $0x400, v7;
	[tilespmem:$0x80B0] =	vst v5  }
0xdc: {  	v57 =	vnsel vm1, $0x400, v8;
	[tilespmem:$0x80A0] =	vst v7  }
0xdd: {  	vm6 =	vlt.s32 v4, v1;
	v5 =	vnsel vm14, $0x400, v9;
	[tilespmem:$0x8090] =	vst v57  }
0xde: {  	vm7 =	vmand vm15, vm6;
	v4 =	vnsel vm0, $0x400, v10;
	[tilespmem:$0x8080] =	vst v5  }
0xdf: {  	v5 =	vnsel vm7, $0x400, v56;
	[tilespmem:$0x80C0] =	vst v4  }
0xe0: {  	v4 =	vnsel vm11, $0x400, v11;
	[tilespmem:$0x80D0] =	vst v5  }
0xe1: {  	[tilespmem:$0x80E0] =	vst v4  }
0xe2: {  	[spmem:s4] =	stream.indirect.scatter.add.f32 [tilespmem:s19], [sflag:$0x3], $0x80, s18, s21, $0xb8;
	[tilespmem:$0x14200] =	vst v63  }
0xe3: {  	_ =	swait.ge [sflag:s15], $0x4000  }
0xe4: {  	[sflag:s15] =	ssyncset.done $0x0  }
0xe5: {  	[sflag:s15] =	ssyncadd.s32 $0xFFFFC000  }
0xe6: {  	[spmem:s5] =	stream.indirect.scatter.add.f32 [tilespmem:s22], [sflag:$0x3], $0x80, s18, s21, $0xb8;
	[tilespmem:$0x14200] =	vst v63  }
0xe7: {  	_ =	swait.ge [sflag:s15], $0x4000  }
0xe8: {  	[sflag:s15] =	ssyncset.done $0x0  }
0xe9: {  	[sflag:s15] =	ssyncadd.s32 $0xFFFFC000  }
0xea: {  	_ =	swait.ge [sflag:s20], $0x80  }
0xeb: {  	[sflag:s20] =	ssyncset.done $0x0  }
0xec: {  	[sflag:s20] =	ssyncadd.s32 $0xFFFFFF80  }
0xed: {  	_ =	swait.ge [sflag:s20], $0x4000  }
0xee: {  	[sflag:s20] =	ssyncset.done $0x0  }
0xef: {  	v61 =	vld [tilespmem:$0x1FF80];
	[sflag:s20] =	ssyncadd.s32 $0xFFFFC000  }
0xf0: {  	v4 =	vld [tilespmem:$0x8000];
	_ =	sdelay $0x3  }
0xf1: {  	vm8 =	vnez.u8 v61  }
0xf2: {  	v4 =	vnsel vm8, $0x400, v4  }
0xf3: {  	[tilespmem:$0x8000] =	vst v4;
	v4 =	vld [tilespmem:$0x1FF90]  }
0xf4: {  	v5 =	vld [tilespmem:$0x8010];
	_ =	sdelay $0x3  }
0xf5: {  	vm9 =	vnez.u8 v4  }
0xf6: {  	v4 =	vnsel vm9, $0x400, v5  }
0xf7: {  	[tilespmem:$0x8010] =	vst v4;
	v4 =	vld [tilespmem:$0x1FFA0]  }
0xf8: {  	v58 =	vld [tilespmem:$0x8020];
	_ =	sdelay $0x3  }
0xf9: {  	vm10 =	vnez.u8 v4  }
0xfa: {  	v4 =	vnsel vm10, $0x400, v58  }
0xfb: {  	[tilespmem:$0x8020] =	vst v4;
	v4 =	vld [tilespmem:$0x1FFB0]  }
0xfc: {  	v59 =	vld [tilespmem:$0x8030];
	_ =	sdelay $0x3  }
0xfd: {  	vm11 =	vnez.u8 v4  }
0xfe: {  	v4 =	vnsel vm11, $0x400, v59  }
0xff: {  	[tilespmem:$0x8030] =	vst v4;
	v4 =	vld [tilespmem:$0x1FFC0]  }
0x100: {  	v60 =	vld [tilespmem:$0x8040];
	_ =	sdelay $0x3  }
0x101: {  	vm12 =	vnez.u8 v4  }
0x102: {  	v4 =	vnsel vm12, $0x400, v60  }
0x103: {  	[tilespmem:$0x8040] =	vst v4;
	v4 =	vld [tilespmem:$0x1FFD0]  }
0x104: {  	v62 =	vld [tilespmem:$0x8050];
	_ =	sdelay $0x3  }
0x105: {  	vm13 =	vnez.u8 v4  }
0x106: {  	v4 =	vnsel vm13, $0x400, v62  }
0x107: {  	[tilespmem:$0x8050] =	vst v4;
	v4 =	vld [tilespmem:$0x1FFE0]  }
0x108: {  	v5 =	vld [tilespmem:$0x8060];
	_ =	sdelay $0x3  }
0x109: {  	vm14 =	vnez.u8 v4  }
0x10a: {  	v4 =	vnsel vm14, $0x400, v5  }
0x10b: {  	[tilespmem:$0x8060] =	vst v4;
	v4 =	vld [tilespmem:$0x1FFF0]  }
0x10c: {  	v63 =	vld [tilespmem:$0x8070];
	_ =	sdelay $0x3  }
0x10d: {  	vm15 =	vnez.u8 v4  }
0x10e: {  	v4 =	vnsel vm15, $0x400, v63  }
0x10f: {  	[tilespmem:$0x8070] =	vst v4  }
0x110: {  	[spmem:s4] =	stream.indirect.scatter.add.f32 [tilespmem:s6], [sflag:$0x3], $0x80, s17, s21, $0xb8;
	[tilespmem:$0x14200] =	vst v63  }
0x111: {  	_ =	swait.ge [sflag:s15], $0x4000  }
0x112: {  	[sflag:s15] =	ssyncset.done $0x0  }
0x113: {  	[sflag:s15] =	ssyncadd.s32 $0xFFFFC000  }
0x114: {  	[spmem:s5] =	stream.indirect.scatter.add.f32 [tilespmem:s22], [sflag:$0x3], $0x80, s17, s21, $0xb8;
	[tilespmem:$0x14200] =	vst v63  }
0x115: {  	_ =	swait.ge [sflag:s15], $0x4000  }
0x116: {  	s2 =	stileid.u32;
	[sflag:s15] =	ssyncset.done $0x0  }
0x117: {  	s2 =	sshll.u32 s2, $0x6;
	[sflag:s15] =	ssyncadd.s32 $0xFFFFC000  }
0x118: {  	s3 =	sshrl.u32 s7, $0x3;
	s2 =	sor.u32 $0x1C03, s2;
	[bflag:$0x0] =	sbarrier.arrive $0xFFFF  }
0x119: {  	[hbm:s11], [sflag:s2] =	dma.local [spmem:s3], $0x400  }
0x11a: {  	s24 =	sadd.s32 $0x1, s24;
	_ =	swait.ge [sflag:s15], $0x400  }
0x11b: {  	p0 =	sne.s32 s24, s13;
	[sflag:s15] =	ssyncset.done $0x0  }
.Ltmp3:
0x11c: {  	s31 =	sshrl.u32 s8, $0x3;
	[sflag:s15] =	ssyncadd.s32 $0xFFFFFC00;
	(pc) =	sbr.rel @p0 .LBB2_1-.Ltmp3, $4  }
0x11d: {  	[hbm:s12], [sflag:s2] =	dma.local [spmem:s31], $0x400  }
0x11e: {  	_ =	swait.ge [sflag:s15], $0x400  }
0x11f: {  	[sflag:s15] =	ssyncset.done $0x0  }
0x120: {  	[sflag:s15] =	ssyncadd.s32 $0xFFFFFC00  }
0x121: {  	_ =	sfence.sel $0x180000  }
0x122: {  	[bflag:$0x0] =	sbarrier.arrive $0xFFFF  }
0x123: {  	_ =	strace $0x90000047  }
0x124: {  	s0 =	stileid.u32;
	[bflag:$0x2] =	sbarrier.arrive $0xFFFF  }
0x125: {  	p0 =	sne.s32 s0, $0x0;
	s0 =	rddreg [dreg:$0x6]  }
0x126: {  	s0 =	sadd.s32 @!p0 $0x100000, s0  }
0x127: {  	[sflag:s0] =	ssyncadd.tile.s32 @!p0 $0x1;
	_ =	shalt  }
.Lfunc_end2:
_tile_overlayer_lowered:
.L_overlay_start_2:
0x128: {  	(tag) =	ssettag $0x2  }
0x129: {  	s0 =	rddreg [dreg:$0x0];
	s2 =	stileid.u32  }
0x12a: {  	s1 =	rddreg [dreg:$0x1];
	p0 =	sne.s32 s2, $0x0  }
0x12b: {  	s3 =	rddreg [dreg:$0x2];
	[bflag:$0x3] =	sbarrier.arrive $0xFFFF;
	s2 =	simm.s32 @!p0 $0x1C03  }
0x12c: {  	[timem:s3], [sflag:s2] =	dma.local @!p0 [hbm:s0], s1  }
0x12d: {  	s0 =	simm.s32 @!p0 $0x3  }
0x12e: {  	_ =	swait.ge @!p0 [sflag:s0], s1  }
0x12f: {  	s1 =	ssub.s32 @!p0 $0x0, s1;
	[sflag:s0] =	ssyncset.done @!p0 $0x0  }
0x130: {  	[sflag:s0] =	ssyncadd.s32 @!p0 s1  }
0x131: {  	[bflag:$0x3] =	sbarrier.arrive $0xFFFF  }
0x132: {  	_ =	shalt  }

</sc_bundles>
